<compile_context>
chip_gen: v7x
topology: tpu7x:2x2x1
jax: 0.10.2.dev20260603
libtpu: 0.0.44.dev20260713+nightly
codegen_flags: <defaults>
</compile_context>

<pallas_src>
import functools
import jax
import jax.numpy as jnp
from jax import lax
from jax.experimental import pallas as pl
from jax.experimental.pallas import tpu as pltpu
from jax.experimental.pallas import tpu_sc as plsc

N = 10000
E = 160000
D = 256
HALF = 128

NC = 2
NS = 16
CHUNK = 128
NCHUNK = 79
EPT = CHUNK * NCHUNK
E_PAD = EPT * NS
AGG_ROWS = 10240
ROWS_PT = AGG_ROWS // NS
TRASH = N


def _sc_segsum(with_deg):

    DW = HALF
    mesh = plsc.VectorSubcoreMesh(core_axis_name="c", subcore_axis_name="s")

    out_type = [jax.ShapeDtypeStruct((NC, AGG_ROWS, DW), jnp.float32)]
    scratch = [
        pltpu.VMEM((NCHUNK, CHUNK), jnp.int32),
        pltpu.VMEM((NCHUNK, CHUNK), jnp.int32),
        pltpu.VMEM((CHUNK, DW), jnp.float32),
        pltpu.VMEM_SHARED((AGG_ROWS, DW), jnp.float32),
        pltpu.SemaphoreType.DMA,
    ]
    HR = 80
    HPT = 8
    HTILES = HR // HPT
    if with_deg:
        out_type.append(jax.ShapeDtypeStruct((HR, HALF), jnp.float32))
        scratch += [
            pltpu.VMEM((HR, HALF), jnp.float32),
            pltpu.VMEM((8, HALF), jnp.float32),
            pltpu.VMEM((8, HALF), jnp.float32),
        ]

    @functools.partial(
        pl.kernel, mesh=mesh, out_type=tuple(out_type),
        scratch_types=scratch,
        compiler_params=pltpu.CompilerParams(needs_layout_passes=False))
    def k(x2_hbm, gsrc_hbm, dst3_hbm, out_hbm, *rest):
        if with_deg:
            (deg_hbm, idx_v, didx_v, rows_v, agg_sp, sem,
             hist_v, tmp_v, acc_v) = rest
        else:
            idx_v, didx_v, rows_v, agg_sp, sem = rest
        c = lax.axis_index("c")
        s = lax.axis_index("s")
        zero16 = jnp.zeros((16,), jnp.float32)
        ones16 = jnp.ones((16,), jnp.float32)

        pltpu.sync_copy(gsrc_hbm.at[c, s], idx_v)
        pltpu.sync_copy(dst3_hbm.at[s], didx_v)

        def zbody(i, carry):
            for kk in range(DW // 16):
                rows_v[i, pl.ds(kk * 16, 16)] = zero16
            return carry
        lax.fori_loop(0, CHUNK, zbody, 0)
        base = s * ROWS_PT
        for q in range(ROWS_PT // CHUNK):
            pltpu.sync_copy(rows_v, agg_sp.at[pl.ds(base + q * CHUNK, CHUNK)])
        if with_deg:
            def hzbody(i, carry):
                for kk in range(HALF // 16):
                    hist_v[i, pl.ds(kk * 16, 16)] = zero16
                return carry
            lax.fori_loop(0, HR, hzbody, 0)
        plsc.subcore_barrier()

        def body(j, carry):
            pltpu.async_copy(x2_hbm.at[idx_v.at[j]], rows_v, sem).wait()
            pltpu.sync_copy(rows_v, agg_sp.at[didx_v.at[j]], add=True)
            if with_deg:
                @pl.when(c == 0)
                def _():
                    for kk in range(CHUNK // 16):
                        d16 = didx_v[j, pl.ds(kk * 16, 16)]
                        plsc.addupdate_scatter(
                            hist_v,
                            [lax.shift_right_logical(d16, 7),
                             lax.bitwise_and(d16, 127)],
                            ones16)
            return carry
        lax.fori_loop(0, NCHUNK, body, 0)
        plsc.subcore_barrier()

        pltpu.sync_copy(agg_sp.at[pl.ds(base, ROWS_PT)],
                        out_hbm.at[c, pl.ds(base, ROWS_PT)])

        if with_deg:
            plsc.subcore_barrier()

            @pl.when(c == 0)
            def _():
                pltpu.sync_copy(hist_v, agg_sp.at[pl.ds(s * HR, HR)])
            plsc.subcore_barrier()

            @pl.when(jnp.logical_and(c == 0, s < HTILES))
            def _():
                def azbody(i, carry):
                    acc_v[i // 8, pl.ds((i % 8) * 16, 16)] = zero16
                    return carry
                lax.fori_loop(0, HPT * (HALF // 16), azbody, 0)

                def tbody(t, carry):
                    off = pl.multiple_of(t * HR + s * HPT, 8)
                    pltpu.sync_copy(agg_sp.at[pl.ds(off, HPT)], tmp_v)

                    def abody(i, carry2):
                        rr = i // 8
                        sl = pl.ds((i % 8) * 16, 16)
                        acc_v[rr, sl] = acc_v[rr, sl] + tmp_v[rr, sl]
                        return carry2
                    return lax.fori_loop(0, HPT * (HALF // 16), abody, carry)
                lax.fori_loop(0, NS, tbody, 0)
                pltpu.sync_copy(
                    acc_v,
                    deg_hbm.at[pl.ds(pl.multiple_of(s * HPT, 8), HPT)])

    return k


_sc_segsum_deg = _sc_segsum(True)
_sc_segsum_plain = _sc_segsum(False)

_BLK = 1000


def _tc_layer_body(x_ref, agg_ref, deg_ref, ws_ref, wn_ref, b_ref,
                   y_ref, y2_ref):
    r = 1.0 / jnp.maximum(deg_ref[...], 1.0)
    lo = agg_ref[0] * r
    hi = agg_ref[1] * r
    acc = jnp.dot(x_ref[...], ws_ref[...], preferred_element_type=jnp.float32)
    acc += jnp.dot(lo, wn_ref[0:HALF, :], preferred_element_type=jnp.float32)
    acc += jnp.dot(hi, wn_ref[HALF:, :], preferred_element_type=jnp.float32)
    y = jnp.maximum(acc + b_ref[...], 0.0)
    y_ref[...] = y
    y2_ref[0] = y[:, :HALF]
    y2_ref[1] = y[:, HALF:]


def _tc_layer(x, agg2, degc, w_self, w_neigh, b):
    return pl.pallas_call(
        _tc_layer_body,
        grid=(N // _BLK,),
        in_specs=[
            pl.BlockSpec((_BLK, D), lambda i: (i, 0)),
            pl.BlockSpec((NC, _BLK, HALF), lambda i: (0, i, 0)),
            pl.BlockSpec((_BLK, 1), lambda i: (i, 0)),
            pl.BlockSpec((D, D), lambda i: (0, 0)),
            pl.BlockSpec((D, D), lambda i: (0, 0)),
            pl.BlockSpec((1, D), lambda i: (0, 0)),
        ],
        out_specs=[
            pl.BlockSpec((_BLK, D), lambda i: (i, 0)),
            pl.BlockSpec((NC, _BLK, HALF), lambda i: (0, i, 0)),
        ],
        out_shape=[
            jax.ShapeDtypeStruct((N, D), jnp.float32),
            jax.ShapeDtypeStruct((NC, N, HALF), jnp.float32),
        ],
    )(x, agg2, degc, w_self, w_neigh, b.reshape(1, D))


def kernel(h, edge_index, W_self0, W_neigh0, b0, W_self1, W_neigh1, b1):
    src = edge_index[0]
    dst = edge_index[1]

    pad = E_PAD - E
    src_p = jnp.concatenate([src, jnp.zeros((pad,), jnp.int32)])
    dst_p = jnp.concatenate([dst, jnp.full((pad,), TRASH, jnp.int32)])
    tiles = src_p.reshape(NS, NCHUNK, CHUNK)
    gsrc = jnp.stack([tiles, tiles + N])
    dst3 = dst_p.reshape(NS, NCHUNK, CHUNK)

    x2a = h.reshape(N, NC, HALF).transpose(1, 0, 2).reshape(NC * N, HALF)

    agg_a, deg = _sc_segsum_deg(x2a, gsrc, dst3)
    degc = deg.reshape(AGG_ROWS)[:N].reshape(N, 1)
    agg0 = agg_a[:, :N, :]

    x1, x1_split = _tc_layer(h, agg0, degc, W_self0, W_neigh0, b0)

    x2b = x1_split.reshape(NC * N, HALF)
    (agg_b,) = _sc_segsum_plain(x2b, gsrc, dst3)
    agg1 = agg_b[:, :N, :]

    out, _ = _tc_layer(x1, agg1, degc, W_self1, W_neigh1, b1)
    return out

# --- scband reference (transcript-rebuilt; emitter-appended) ---
"""Pipeline reference for scband-sage-37134287241566 (READ-ONLY COPY).

The authoritative reference and input builder live on the scoring server;
editing this copy changes nothing except your own understanding.
"""

import jax, jax.numpy as jnp
import numpy as np

N = 10000
E = 160000
D = 256


def setup_inputs(seed: int = 0) -> dict:
    key = jax.random.key(seed)
    ks = jax.random.split(key, 9)
    h = jax.random.normal(ks[0], (N, D), dtype=jnp.float32)
    edge_index = jax.random.randint(ks[1], (2, E), 0, N, dtype=jnp.int32)
    s = 1.0 / np.sqrt(D)
    W_self0 = jax.random.uniform(ks[2], (D, D), jnp.float32, -s, s)
    W_neigh0 = jax.random.uniform(ks[3], (D, D), jnp.float32, -s, s)
    b0 = jax.random.uniform(ks[4], (D,), jnp.float32, -s, s)
    W_self1 = jax.random.uniform(ks[5], (D, D), jnp.float32, -s, s)
    W_neigh1 = jax.random.uniform(ks[6], (D, D), jnp.float32, -s, s)
    b1 = jax.random.uniform(ks[7], (D,), jnp.float32, -s, s)
    return {"h": h, "edge_index": edge_index, "W_self0": W_self0, "W_neigh0": W_neigh0, "b0": b0, "W_self1": W_self1, "W_neigh1": W_neigh1, "b1": b1}


def _sage_layer(h, src, dst, W_self, W_neigh, b):
    # GraphSAGE 'mean' aggregator (DGL SAGEConv semantics):
    # h_neigh = mean over incoming-edge source features; rst = fc_self(h) + fc_neigh(h_neigh) + bias
    msg = jnp.take(h, src, axis=0)
    agg = jax.ops.segment_sum(msg, dst, num_segments=N)
    deg = jax.ops.segment_sum(jnp.ones((src.shape[0],), dtype=h.dtype), dst, num_segments=N)
    h_neigh = agg / jnp.maximum(deg, 1.0)[:, None]
    return h @ W_self + h_neigh @ W_neigh + b


def reference(h, edge_index, W_self0, W_neigh0, b0, W_self1, W_neigh1, b1):
    src = edge_index[0]
    dst = edge_index[1]
    # layer 0: conv -> (batch_norm=False) -> relu -> dropout(p=0.0, identity in eval)
    x = jax.nn.relu(_sage_layer(h, src, dst, W_self0, W_neigh0, b0))
    # layer 1 (last): conv -> relu (act applied to every layer in this module)
    x = jax.nn.relu(_sage_layer(x, src, dst, W_self1, W_neigh1, b1))
    return x

if __name__ == "__main__":
    import jax
    _d = setup_inputs()
    print(jax.jit(kernel)(*tuple(_d.values())))

</pallas_src>

<mosaic_0001>
#map = affine_map<(d0, d1) -> (0, 0)>
#map1 = affine_map<(d0, d1) -> (0, 0, 0, 0)>
#map2 = affine_map<(d0, d1) -> (0, 0, 0)>
module attributes {stable_mosaic.version = 14 : i64} {
  func.func @k(%arg0: i32, %arg1: i32, %arg2: memref<20000x128xf32, #tpu.memory_space<hbm>>, %arg3: memref<2x16x79x128xi32, #tpu.memory_space<hbm>>, %arg4: memref<16x79x128xi32, #tpu.memory_space<hbm>>, %arg5: memref<2x10240x128xf32, #tpu.memory_space<hbm>>, %arg6: memref<79x128xi32, #tpu.memory_space<vmem>>, %arg7: memref<79x128xi32, #tpu.memory_space<vmem>>, %arg8: memref<128x128xf32, #tpu.memory_space<vmem>>, %arg9: memref<10240x128xf32, #tpu.memory_space<vmem_shared>>, %arg10: memref<!tpu.dma_semaphore, #tpu.memory_space<semaphore_mem>>) attributes {dimension_semantics = [#tpu.dimension_semantics<core_parallel>, #tpu.dimension_semantics<subcore_parallel>], iteration_bounds = array<i64: 2, 16>, scalar_prefetch = 0 : i64, scratch_operands = 5 : i64, tpu.core_type = #tpu.core_type<sc_vector_subcore>, window_params = [{transform_indices = #map}, {transform_indices = #map1}, {transform_indices = #map2}, {transform_indices = #map2}]} {
    %broadcast_in_dim3A = arith.constant 0.000000e+00 : f32
    %broadcast_in_dim3A_0 = vector.broadcast %broadcast_in_dim3A : f32 to vector<16xf32>
    %broadcast_in_dim3A_1 = arith.constant 1.000000e+00 : f32
    %broadcast_in_dim3A_2 = vector.broadcast %broadcast_in_dim3A_1 : f32 to vector<16xf32>
    "tpu.region"() ({
      %run_scoped3A = tpu.sem_alloc : memref<!tpu.dma_semaphore, #tpu.memory_space<semaphore_mem>>
      %dma_start3A = arith.constant 0 : i32
      %dma_start3A_25 = arith.constant 0 : i32
      %dma_start3A_26 = tpu.memref_slice %arg3[%arg0, %arg1, %dma_start3A, %dma_start3A_25] : memref<2x16x79x128xi32, #tpu.memory_space<hbm>> -> memref<1x1x79x128xi32, #tpu.memory_space<hbm>>
      %dma_start3A_27 = tpu.memref_squeeze %dma_start3A_26 : memref<1x1x79x128xi32, #tpu.memory_space<hbm>> -> memref<79x128xi32, #tpu.memory_space<hbm>>
      %dma_start3A_28 = arith.constant 0 : i32
      %dma_start3A_29 = arith.constant 0 : i32
      %dma_start3A_30 = tpu.memref_slice %arg3[%arg0, %arg1, %dma_start3A_28, %dma_start3A_29] : memref<2x16x79x128xi32, #tpu.memory_space<hbm>> -> memref<1x1x79x128xi32, #tpu.memory_space<hbm>>
      %dma_start3A_31 = tpu.memref_squeeze %dma_start3A_30 : memref<1x1x79x128xi32, #tpu.memory_space<hbm>> -> memref<79x128xi32, #tpu.memory_space<hbm>>
      tpu.enqueue_dma source(%dma_start3A_31 : memref<79x128xi32, #tpu.memory_space<hbm>>) target(%arg6 : memref<79x128xi32, #tpu.memory_space<vmem>>) target_semaphore(%run_scoped3A : memref<!tpu.dma_semaphore, #tpu.memory_space<semaphore_mem>>)
      %dma_wait3A = arith.constant 0 : i32
      %dma_wait3A_32 = arith.constant 0 : i32
      %dma_wait3A_33 = tpu.memref_slice %arg3[%arg0, %arg1, %dma_wait3A, %dma_wait3A_32] : memref<2x16x79x128xi32, #tpu.memory_space<hbm>> -> memref<1x1x79x128xi32, #tpu.memory_space<hbm>>
      %dma_wait3A_34 = tpu.memref_squeeze %dma_wait3A_33 : memref<1x1x79x128xi32, #tpu.memory_space<hbm>> -> memref<79x128xi32, #tpu.memory_space<hbm>>
      %dma_wait3A_35 = arith.constant 0 : i32
      %dma_wait3A_36 = arith.constant 0 : i32
      %dma_wait3A_37 = tpu.memref_slice %arg3[%arg0, %arg1, %dma_wait3A_35, %dma_wait3A_36] : memref<2x16x79x128xi32, #tpu.memory_space<hbm>> -> memref<1x1x79x128xi32, #tpu.memory_space<hbm>>
      %dma_wait3A_38 = tpu.memref_squeeze %dma_wait3A_37 : memref<1x1x79x128xi32, #tpu.memory_space<hbm>> -> memref<79x128xi32, #tpu.memory_space<hbm>>
      tpu.wait_dma2 semaphore(%run_scoped3A : memref<!tpu.dma_semaphore, #tpu.memory_space<semaphore_mem>>) src(%dma_wait3A_38 : memref<79x128xi32, #tpu.memory_space<hbm>>) dst(%arg6 : memref<79x128xi32, #tpu.memory_space<vmem>>)
      tpu.yield
    }) : () -> ()
    "tpu.region"() ({
      %run_scoped3A = tpu.sem_alloc : memref<!tpu.dma_semaphore, #tpu.memory_space<semaphore_mem>>
      %dma_start3A = arith.constant 0 : i32
      %dma_start3A_25 = arith.constant 0 : i32
      %dma_start3A_26 = tpu.memref_slice %arg4[%arg1, %dma_start3A, %dma_start3A_25] : memref<16x79x128xi32, #tpu.memory_space<hbm>> -> memref<1x79x128xi32, #tpu.memory_space<hbm>>
      %dma_start3A_27 = tpu.memref_squeeze %dma_start3A_26 : memref<1x79x128xi32, #tpu.memory_space<hbm>> -> memref<79x128xi32, #tpu.memory_space<hbm>>
      %dma_start3A_28 = arith.constant 0 : i32
      %dma_start3A_29 = arith.constant 0 : i32
      %dma_start3A_30 = tpu.memref_slice %arg4[%arg1, %dma_start3A_28, %dma_start3A_29] : memref<16x79x128xi32, #tpu.memory_space<hbm>> -> memref<1x79x128xi32, #tpu.memory_space<hbm>>
      %dma_start3A_31 = tpu.memref_squeeze %dma_start3A_30 : memref<1x79x128xi32, #tpu.memory_space<hbm>> -> memref<79x128xi32, #tpu.memory_space<hbm>>
      tpu.enqueue_dma source(%dma_start3A_31 : memref<79x128xi32, #tpu.memory_space<hbm>>) target(%arg7 : memref<79x128xi32, #tpu.memory_space<vmem>>) target_semaphore(%run_scoped3A : memref<!tpu.dma_semaphore, #tpu.memory_space<semaphore_mem>>)
      %dma_wait3A = arith.constant 0 : i32
      %dma_wait3A_32 = arith.constant 0 : i32
      %dma_wait3A_33 = tpu.memref_slice %arg4[%arg1, %dma_wait3A, %dma_wait3A_32] : memref<16x79x128xi32, #tpu.memory_space<hbm>> -> memref<1x79x128xi32, #tpu.memory_space<hbm>>
      %dma_wait3A_34 = tpu.memref_squeeze %dma_wait3A_33 : memref<1x79x128xi32, #tpu.memory_space<hbm>> -> memref<79x128xi32, #tpu.memory_space<hbm>>
      %dma_wait3A_35 = arith.constant 0 : i32
      %dma_wait3A_36 = arith.constant 0 : i32
      %dma_wait3A_37 = tpu.memref_slice %arg4[%arg1, %dma_wait3A_35, %dma_wait3A_36] : memref<16x79x128xi32, #tpu.memory_space<hbm>> -> memref<1x79x128xi32, #tpu.memory_space<hbm>>
      %dma_wait3A_38 = tpu.memref_squeeze %dma_wait3A_37 : memref<1x79x128xi32, #tpu.memory_space<hbm>> -> memref<79x128xi32, #tpu.memory_space<hbm>>
      tpu.wait_dma2 semaphore(%run_scoped3A : memref<!tpu.dma_semaphore, #tpu.memory_space<semaphore_mem>>) src(%dma_wait3A_38 : memref<79x128xi32, #tpu.memory_space<hbm>>) dst(%arg7 : memref<79x128xi32, #tpu.memory_space<vmem>>)
      tpu.yield
    }) : () -> ()
    %scan3A = arith.constant 0 : i32
    %scan3A_3 = arith.constant 0 : i32
    %scan3A_4 = arith.constant 128 : i32
    %scan3A_5 = arith.addi %scan3A_3, %scan3A_4 : i32
    %scan3A_6 = arith.constant 1 : i32
    scf.for %scan3A_25 = %scan3A_3 to %scan3A_5 step %scan3A_6  : i32 {
      %swap3A = arith.index_cast %scan3A_25 : i32 to index
      %swap3A_26 = arith.constant 0 : index
      %swap3A_27 = tpu.vector_load %arg8[%swap3A, %swap3A_26] {strides = array<i32>} : memref<128x128xf32, #tpu.memory_space<vmem>>, vector<16xf32>,
      tpu.vector_store %arg8[%swap3A, %swap3A_26], %broadcast_in_dim3A_0 {strides = array<i32>} : memref<128x128xf32, #tpu.memory_space<vmem>>, vector<16xf32>,
      %swap3A_28 = arith.index_cast %scan3A_25 : i32 to index
      %swap3A_29 = arith.constant 16 : index
      %swap3A_30 = tpu.vector_load %arg8[%swap3A_28, %swap3A_29] {strides = array<i32>} : memref<128x128xf32, #tpu.memory_space<vmem>>, vector<16xf32>,
      tpu.vector_store %arg8[%swap3A_28, %swap3A_29], %broadcast_in_dim3A_0 {strides = array<i32>} : memref<128x128xf32, #tpu.memory_space<vmem>>, vector<16xf32>,
      %swap3A_31 = arith.index_cast %scan3A_25 : i32 to index
      %swap3A_32 = arith.constant 32 : index
      %swap3A_33 = tpu.vector_load %arg8[%swap3A_31, %swap3A_32] {strides = array<i32>} : memref<128x128xf32, #tpu.memory_space<vmem>>, vector<16xf32>,
      tpu.vector_store %arg8[%swap3A_31, %swap3A_32], %broadcast_in_dim3A_0 {strides = array<i32>} : memref<128x128xf32, #tpu.memory_space<vmem>>, vector<16xf32>,
      %swap3A_34 = arith.index_cast %scan3A_25 : i32 to index
      %swap3A_35 = arith.constant 48 : index
      %swap3A_36 = tpu.vector_load %arg8[%swap3A_34, %swap3A_35] {strides = array<i32>} : memref<128x128xf32, #tpu.memory_space<vmem>>, vector<16xf32>,
      tpu.vector_store %arg8[%swap3A_34, %swap3A_35], %broadcast_in_dim3A_0 {strides = array<i32>} : memref<128x128xf32, #tpu.memory_space<vmem>>, vector<16xf32>,
      %swap3A_37 = arith.index_cast %scan3A_25 : i32 to index
      %swap3A_38 = arith.constant 64 : index
      %swap3A_39 = tpu.vector_load %arg8[%swap3A_37, %swap3A_38] {strides = array<i32>} : memref<128x128xf32, #tpu.memory_space<vmem>>, vector<16xf32>,
      tpu.vector_store %arg8[%swap3A_37, %swap3A_38], %broadcast_in_dim3A_0 {strides = array<i32>} : memref<128x128xf32, #tpu.memory_space<vmem>>, vector<16xf32>,
      %swap3A_40 = arith.index_cast %scan3A_25 : i32 to index
      %swap3A_41 = arith.constant 80 : index
      %swap3A_42 = tpu.vector_load %arg8[%swap3A_40, %swap3A_41] {strides = array<i32>} : memref<128x128xf32, #tpu.memory_space<vmem>>, vector<16xf32>,
      tpu.vector_store %arg8[%swap3A_40, %swap3A_41], %broadcast_in_dim3A_0 {strides = array<i32>} : memref<128x128xf32, #tpu.memory_space<vmem>>, vector<16xf32>,
      %swap3A_43 = arith.index_cast %scan3A_25 : i32 to index
      %swap3A_44 = arith.constant 96 : index
      %swap3A_45 = tpu.vector_load %arg8[%swap3A_43, %swap3A_44] {strides = array<i32>} : memref<128x128xf32, #tpu.memory_space<vmem>>, vector<16xf32>,
      tpu.vector_store %arg8[%swap3A_43, %swap3A_44], %broadcast_in_dim3A_0 {strides = array<i32>} : memref<128x128xf32, #tpu.memory_space<vmem>>, vector<16xf32>,
      %swap3A_46 = arith.index_cast %scan3A_25 : i32 to index
      %swap3A_47 = arith.constant 112 : index
      %swap3A_48 = tpu.vector_load %arg8[%swap3A_46, %swap3A_47] {strides = array<i32>} : memref<128x128xf32, #tpu.memory_space<vmem>>, vector<16xf32>,
      tpu.vector_store %arg8[%swap3A_46, %swap3A_47], %broadcast_in_dim3A_0 {strides = array<i32>} : memref<128x128xf32, #tpu.memory_space<vmem>>, vector<16xf32>,
    }
    %scan3A_7 = arith.constant 128 : i32
    %mul3A = arith.constant 640 : i32
    %mul3A_8 = arith.muli %arg1, %mul3A : i32
    %add3A = arith.constant 0 : i32
    %add3A_9 = arith.addi %mul3A_8, %add3A : i32
    "tpu.region"() ({
      %run_scoped3A = tpu.sem_alloc : memref<!tpu.dma_semaphore, #tpu.memory_space<semaphore_mem>>
      %dma_start3A = arith.constant 0 : i32
      %dma_start3A_25 = tpu.memref_slice %arg9[%add3A_9, %dma_start3A] : memref<10240x128xf32, #tpu.memory_space<vmem_shared>> -> memref<128x128xf32, #tpu.memory_space<vmem_shared>>
      %dma_start3A_26 = arith.constant 0 : i32
      %dma_start3A_27 = tpu.memref_slice %arg9[%add3A_9, %dma_start3A_26] : memref<10240x128xf32, #tpu.memory_space<vmem_shared>> -> memref<128x128xf32, #tpu.memory_space<vmem_shared>>
      tpu.enqueue_dma source(%arg8 : memref<128x128xf32, #tpu.memory_space<vmem>>) target(%dma_start3A_27 : memref<128x128xf32, #tpu.memory_space<vmem_shared>>) target_semaphore(%run_scoped3A : memref<!tpu.dma_semaphore, #tpu.memory_space<semaphore_mem>>)
      %dma_wait3A = arith.constant 0 : i32
      %dma_wait3A_28 = tpu.memref_slice %arg9[%add3A_9, %dma_wait3A] : memref<10240x128xf32, #tpu.memory_space<vmem_shared>> -> memref<128x128xf32, #tpu.memory_space<vmem_shared>>
      %dma_wait3A_29 = arith.constant 0 : i32
      %dma_wait3A_30 = tpu.memref_slice %arg9[%add3A_9, %dma_wait3A_29] : memref<10240x128xf32, #tpu.memory_space<vmem_shared>> -> memref<128x128xf32, #tpu.memory_space<vmem_shared>>
      tpu.wait_dma2 semaphore(%run_scoped3A : memref<!tpu.dma_semaphore, #tpu.memory_space<semaphore_mem>>) src(%arg8 : memref<128x128xf32, #tpu.memory_space<vmem>>) dst(%dma_wait3A_30 : memref<128x128xf32, #tpu.memory_space<vmem_shared>>)
      tpu.yield
    }) : () -> ()
    %add3A_10 = arith.constant 128 : i32
    %add3A_11 = arith.addi %mul3A_8, %add3A_10 : i32
    "tpu.region"() ({
      %run_scoped3A = tpu.sem_alloc : memref<!tpu.dma_semaphore, #tpu.memory_space<semaphore_mem>>
      %dma_start3A = arith.constant 0 : i32
      %dma_start3A_25 = tpu.memref_slice %arg9[%add3A_11, %dma_start3A] : memref<10240x128xf32, #tpu.memory_space<vmem_shared>> -> memref<128x128xf32, #tpu.memory_space<vmem_shared>>
      %dma_start3A_26 = arith.constant 0 : i32
      %dma_start3A_27 = tpu.memref_slice %arg9[%add3A_11, %dma_start3A_26] : memref<10240x128xf32, #tpu.memory_space<vmem_shared>> -> memref<128x128xf32, #tpu.memory_space<vmem_shared>>
      tpu.enqueue_dma source(%arg8 : memref<128x128xf32, #tpu.memory_space<vmem>>) target(%dma_start3A_27 : memref<128x128xf32, #tpu.memory_space<vmem_shared>>) target_semaphore(%run_scoped3A : memref<!tpu.dma_semaphore, #tpu.memory_space<semaphore_mem>>)
      %dma_wait3A = arith.constant 0 : i32
      %dma_wait3A_28 = tpu.memref_slice %arg9[%add3A_11, %dma_wait3A] : memref<10240x128xf32, #tpu.memory_space<vmem_shared>> -> memref<128x128xf32, #tpu.memory_space<vmem_shared>>
      %dma_wait3A_29 = arith.constant 0 : i32
      %dma_wait3A_30 = tpu.memref_slice %arg9[%add3A_11, %dma_wait3A_29] : memref<10240x128xf32, #tpu.memory_space<vmem_shared>> -> memref<128x128xf32, #tpu.memory_space<vmem_shared>>
      tpu.wait_dma2 semaphore(%run_scoped3A : memref<!tpu.dma_semaphore, #tpu.memory_space<semaphore_mem>>) src(%arg8 : memref<128x128xf32, #tpu.memory_space<vmem>>) dst(%dma_wait3A_30 : memref<128x128xf32, #tpu.memory_space<vmem_shared>>)
      tpu.yield
    }) : () -> ()
    %add3A_12 = arith.constant 256 : i32
    %add3A_13 = arith.addi %mul3A_8, %add3A_12 : i32
    "tpu.region"() ({
      %run_scoped3A = tpu.sem_alloc : memref<!tpu.dma_semaphore, #tpu.memory_space<semaphore_mem>>
      %dma_start3A = arith.constant 0 : i32
      %dma_start3A_25 = tpu.memref_slice %arg9[%add3A_13, %dma_start3A] : memref<10240x128xf32, #tpu.memory_space<vmem_shared>> -> memref<128x128xf32, #tpu.memory_space<vmem_shared>>
      %dma_start3A_26 = arith.constant 0 : i32
      %dma_start3A_27 = tpu.memref_slice %arg9[%add3A_13, %dma_start3A_26] : memref<10240x128xf32, #tpu.memory_space<vmem_shared>> -> memref<128x128xf32, #tpu.memory_space<vmem_shared>>
      tpu.enqueue_dma source(%arg8 : memref<128x128xf32, #tpu.memory_space<vmem>>) target(%dma_start3A_27 : memref<128x128xf32, #tpu.memory_space<vmem_shared>>) target_semaphore(%run_scoped3A : memref<!tpu.dma_semaphore, #tpu.memory_space<semaphore_mem>>)
      %dma_wait3A = arith.constant 0 : i32
      %dma_wait3A_28 = tpu.memref_slice %arg9[%add3A_13, %dma_wait3A] : memref<10240x128xf32, #tpu.memory_space<vmem_shared>> -> memref<128x128xf32, #tpu.memory_space<vmem_shared>>
      %dma_wait3A_29 = arith.constant 0 : i32
      %dma_wait3A_30 = tpu.memref_slice %arg9[%add3A_13, %dma_wait3A_29] : memref<10240x128xf32, #tpu.memory_space<vmem_shared>> -> memref<128x128xf32, #tpu.memory_space<vmem_shared>>
      tpu.wait_dma2 semaphore(%run_scoped3A : memref<!tpu.dma_semaphore, #tpu.memory_space<semaphore_mem>>) src(%arg8 : memref<128x128xf32, #tpu.memory_space<vmem>>) dst(%dma_wait3A_30 : memref<128x128xf32, #tpu.memory_space<vmem_shared>>)
      tpu.yield
    }) : () -> ()
    %add3A_14 = arith.constant 384 : i32
    %add3A_15 = arith.addi %mul3A_8, %add3A_14 : i32
    "tpu.region"() ({
      %run_scoped3A = tpu.sem_alloc : memref<!tpu.dma_semaphore, #tpu.memory_space<semaphore_mem>>
      %dma_start3A = arith.constant 0 : i32
      %dma_start3A_25 = tpu.memref_slice %arg9[%add3A_15, %dma_start3A] : memref<10240x128xf32, #tpu.memory_space<vmem_shared>> -> memref<128x128xf32, #tpu.memory_space<vmem_shared>>
      %dma_start3A_26 = arith.constant 0 : i32
      %dma_start3A_27 = tpu.memref_slice %arg9[%add3A_15, %dma_start3A_26] : memref<10240x128xf32, #tpu.memory_space<vmem_shared>> -> memref<128x128xf32, #tpu.memory_space<vmem_shared>>
      tpu.enqueue_dma source(%arg8 : memref<128x128xf32, #tpu.memory_space<vmem>>) target(%dma_start3A_27 : memref<128x128xf32, #tpu.memory_space<vmem_shared>>) target_semaphore(%run_scoped3A : memref<!tpu.dma_semaphore, #tpu.memory_space<semaphore_mem>>)
      %dma_wait3A = arith.constant 0 : i32
      %dma_wait3A_28 = tpu.memref_slice %arg9[%add3A_15, %dma_wait3A] : memref<10240x128xf32, #tpu.memory_space<vmem_shared>> -> memref<128x128xf32, #tpu.memory_space<vmem_shared>>
      %dma_wait3A_29 = arith.constant 0 : i32
      %dma_wait3A_30 = tpu.memref_slice %arg9[%add3A_15, %dma_wait3A_29] : memref<10240x128xf32, #tpu.memory_space<vmem_shared>> -> memref<128x128xf32, #tpu.memory_space<vmem_shared>>
      tpu.wait_dma2 semaphore(%run_scoped3A : memref<!tpu.dma_semaphore, #tpu.memory_space<semaphore_mem>>) src(%arg8 : memref<128x128xf32, #tpu.memory_space<vmem>>) dst(%dma_wait3A_30 : memref<128x128xf32, #tpu.memory_space<vmem_shared>>)
      tpu.yield
    }) : () -> ()
    %add3A_16 = arith.constant 512 : i32
    %add3A_17 = arith.addi %mul3A_8, %add3A_16 : i32
    "tpu.region"() ({
      %run_scoped3A = tpu.sem_alloc : memref<!tpu.dma_semaphore, #tpu.memory_space<semaphore_mem>>
      %dma_start3A = arith.constant 0 : i32
      %dma_start3A_25 = tpu.memref_slice %arg9[%add3A_17, %dma_start3A] : memref<10240x128xf32, #tpu.memory_space<vmem_shared>> -> memref<128x128xf32, #tpu.memory_space<vmem_shared>>
      %dma_start3A_26 = arith.constant 0 : i32
      %dma_start3A_27 = tpu.memref_slice %arg9[%add3A_17, %dma_start3A_26] : memref<10240x128xf32, #tpu.memory_space<vmem_shared>> -> memref<128x128xf32, #tpu.memory_space<vmem_shared>>
      tpu.enqueue_dma source(%arg8 : memref<128x128xf32, #tpu.memory_space<vmem>>) target(%dma_start3A_27 : memref<128x128xf32, #tpu.memory_space<vmem_shared>>) target_semaphore(%run_scoped3A : memref<!tpu.dma_semaphore, #tpu.memory_space<semaphore_mem>>)
      %dma_wait3A = arith.constant 0 : i32
      %dma_wait3A_28 = tpu.memref_slice %arg9[%add3A_17, %dma_wait3A] : memref<10240x128xf32, #tpu.memory_space<vmem_shared>> -> memref<128x128xf32, #tpu.memory_space<vmem_shared>>
      %dma_wait3A_29 = arith.constant 0 : i32
      %dma_wait3A_30 = tpu.memref_slice %arg9[%add3A_17, %dma_wait3A_29] : memref<10240x128xf32, #tpu.memory_space<vmem_shared>> -> memref<128x128xf32, #tpu.memory_space<vmem_shared>>
      tpu.wait_dma2 semaphore(%run_scoped3A : memref<!tpu.dma_semaphore, #tpu.memory_space<semaphore_mem>>) src(%arg8 : memref<128x128xf32, #tpu.memory_space<vmem>>) dst(%dma_wait3A_30 : memref<128x128xf32, #tpu.memory_space<vmem_shared>>)
      tpu.yield
    }) : () -> ()
    %barrier3A = arith.constant 0 : index
    tpu.barrier barrier_id(%barrier3A)
    %scan3A_18 = arith.constant 0 : i32
    %scan3A_19 = arith.constant 0 : i32
    %scan3A_20 = arith.constant 79 : i32
    %scan3A_21 = arith.addi %scan3A_19, %scan3A_20 : i32
    %scan3A_22 = arith.constant 1 : i32
    scf.for %scan3A_25 = %scan3A_19 to %scan3A_21 step %scan3A_22  : i32 {
      %dma_start3A = arith.constant 0 : i32
      %dma_start3A_26 = tpu.memref_slice %arg6[%scan3A_25, %dma_start3A] : memref<79x128xi32, #tpu.memory_space<vmem>> -> memref<1x128xi32, #tpu.memory_space<vmem>>
      %dma_start3A_27 = tpu.memref_squeeze %dma_start3A_26 : memref<1x128xi32, #tpu.memory_space<vmem>> -> memref<128xi32, #tpu.memory_space<vmem>>
      %dma_start3A_28 = arith.constant 0 : i32
      %dma_start3A_29 = arith.constant 0 : i32
      %dma_start3A_30 = tpu.memref_slice %arg2[%dma_start3A_28, %dma_start3A_29] : memref<20000x128xf32, #tpu.memory_space<hbm>> -> memref<20000x128xf32, #tpu.memory_space<hbm>>
      tpu.enqueue_indirect_dma source(%dma_start3A_30 : memref<20000x128xf32, #tpu.memory_space<hbm>>) target(%arg8 : memref<128x128xf32, #tpu.memory_space<vmem>>) offsets(%dma_start3A_27 : memref<128xi32, #tpu.memory_space<vmem>>) semaphore(%arg10 : memref<!tpu.dma_semaphore, #tpu.memory_space<semaphore_mem>>)
      %dma_wait3A = arith.constant 0 : i32
      %dma_wait3A_31 = tpu.memref_slice %arg6[%scan3A_25, %dma_wait3A] : memref<79x128xi32, #tpu.memory_space<vmem>> -> memref<1x128xi32, #tpu.memory_space<vmem>>
      %dma_wait3A_32 = tpu.memref_squeeze %dma_wait3A_31 : memref<1x128xi32, #tpu.memory_space<vmem>> -> memref<128xi32, #tpu.memory_space<vmem>>
      %dma_wait3A_33 = arith.constant 0 : i32
      %dma_wait3A_34 = arith.constant 0 : i32
      %dma_wait3A_35 = tpu.memref_slice %arg2[%dma_wait3A_33, %dma_wait3A_34] : memref<20000x128xf32, #tpu.memory_space<hbm>> -> memref<20000x128xf32, #tpu.memory_space<hbm>>
      tpu.wait_indirect_dma semaphore(%arg10 : memref<!tpu.dma_semaphore, #tpu.memory_space<semaphore_mem>>) src(%dma_wait3A_35 : memref<20000x128xf32, #tpu.memory_space<hbm>>) dst(%arg8 : memref<128x128xf32, #tpu.memory_space<vmem>>)
      "tpu.region"() ({
        %run_scoped3A = tpu.sem_alloc : memref<!tpu.dma_semaphore, #tpu.memory_space<semaphore_mem>>
        %dma_start3A_36 = arith.constant 0 : i32
        %dma_start3A_37 = tpu.memref_slice %arg7[%scan3A_25, %dma_start3A_36] : memref<79x128xi32, #tpu.memory_space<vmem>> -> memref<1x128xi32, #tpu.memory_space<vmem>>
        %dma_start3A_38 = tpu.memref_squeeze %dma_start3A_37 : memref<1x128xi32, #tpu.memory_space<vmem>> -> memref<128xi32, #tpu.memory_space<vmem>>
        %dma_start3A_39 = arith.constant 0 : i32
        %dma_start3A_40 = arith.constant 0 : i32
        %dma_start3A_41 = tpu.memref_slice %arg9[%dma_start3A_39, %dma_start3A_40] : memref<10240x128xf32, #tpu.memory_space<vmem_shared>> -> memref<10240x128xf32, #tpu.memory_space<vmem_shared>>
        tpu.enqueue_indirect_dma source(%arg8 : memref<128x128xf32, #tpu.memory_space<vmem>>) target(%dma_start3A_41 : memref<10240x128xf32, #tpu.memory_space<vmem_shared>>) offsets(%dma_start3A_38 : memref<128xi32, #tpu.memory_space<vmem>>) semaphore(%run_scoped3A : memref<!tpu.dma_semaphore, #tpu.memory_space<semaphore_mem>>) {add = true}
        %dma_wait3A_42 = arith.constant 0 : i32
        %dma_wait3A_43 = tpu.memref_slice %arg7[%scan3A_25, %dma_wait3A_42] : memref<79x128xi32, #tpu.memory_space<vmem>> -> memref<1x128xi32, #tpu.memory_space<vmem>>
        %dma_wait3A_44 = tpu.memref_squeeze %dma_wait3A_43 : memref<1x128xi32, #tpu.memory_space<vmem>> -> memref<128xi32, #tpu.memory_space<vmem>>
        %dma_wait3A_45 = arith.constant 0 : i32
        %dma_wait3A_46 = arith.constant 0 : i32
        %dma_wait3A_47 = tpu.memref_slice %arg9[%dma_wait3A_45, %dma_wait3A_46] : memref<10240x128xf32, #tpu.memory_space<vmem_shared>> -> memref<10240x128xf32, #tpu.memory_space<vmem_shared>>
        tpu.wait_indirect_dma semaphore(%run_scoped3A : memref<!tpu.dma_semaphore, #tpu.memory_space<semaphore_mem>>) src(%arg8 : memref<128x128xf32, #tpu.memory_space<vmem>>) dst(%dma_wait3A_47 : memref<10240x128xf32, #tpu.memory_space<vmem_shared>>)
        tpu.yield
      }) : () -> ()
    }
    %scan3A_23 = arith.constant 79 : i32
    %barrier3A_24 = arith.constant 0 : index
    tpu.barrier barrier_id(%barrier3A_24)
    "tpu.region"() ({
      %run_scoped3A = tpu.sem_alloc : memref<!tpu.dma_semaphore, #tpu.memory_space<semaphore_mem>>
      %dma_start3A = arith.constant 0 : i32
      %dma_start3A_25 = tpu.memref_slice %arg5[%arg0, %mul3A_8, %dma_start3A] : memref<2x10240x128xf32, #tpu.memory_space<hbm>> -> memref<1x640x128xf32, #tpu.memory_space<hbm>>
      %dma_start3A_26 = tpu.memref_squeeze %dma_start3A_25 : memref<1x640x128xf32, #tpu.memory_space<hbm>> -> memref<640x128xf32, #tpu.memory_space<hbm>>
      %dma_start3A_27 = arith.constant 0 : i32
      %dma_start3A_28 = tpu.memref_slice %arg9[%mul3A_8, %dma_start3A_27] : memref<10240x128xf32, #tpu.memory_space<vmem_shared>> -> memref<640x128xf32, #tpu.memory_space<vmem_shared>>
      tpu.enqueue_dma source(%dma_start3A_28 : memref<640x128xf32, #tpu.memory_space<vmem_shared>>) target(%dma_start3A_26 : memref<640x128xf32, #tpu.memory_space<hbm>>) target_semaphore(%run_scoped3A : memref<!tpu.dma_semaphore, #tpu.memory_space<semaphore_mem>>)
      %dma_wait3A = arith.constant 0 : i32
      %dma_wait3A_29 = tpu.memref_slice %arg5[%arg0, %mul3A_8, %dma_wait3A] : memref<2x10240x128xf32, #tpu.memory_space<hbm>> -> memref<1x640x128xf32, #tpu.memory_space<hbm>>
      %dma_wait3A_30 = tpu.memref_squeeze %dma_wait3A_29 : memref<1x640x128xf32, #tpu.memory_space<hbm>> -> memref<640x128xf32, #tpu.memory_space<hbm>>
      %dma_wait3A_31 = arith.constant 0 : i32
      %dma_wait3A_32 = tpu.memref_slice %arg9[%mul3A_8, %dma_wait3A_31] : memref<10240x128xf32, #tpu.memory_space<vmem_shared>> -> memref<640x128xf32, #tpu.memory_space<vmem_shared>>
      tpu.wait_dma2 semaphore(%run_scoped3A : memref<!tpu.dma_semaphore, #tpu.memory_space<semaphore_mem>>) src(%dma_wait3A_32 : memref<640x128xf32, #tpu.memory_space<vmem_shared>>) dst(%dma_wait3A_30 : memref<640x128xf32, #tpu.memory_space<hbm>>)
      tpu.yield
    }) : () -> ()
    return
  }
}

#map = affine_map<(d0, d1) -> (0, 0)>
#map1 = affine_map<(d0, d1) -> (0, 0, 0, 0)>
#map2 = affine_map<(d0, d1) -> (0, 0, 0)>
module attributes {stable_mosaic.version = 14 : i64} {
  func.func @k(%arg0: i32, %arg1: i32, %arg2: memref<20000x128xf32, #tpu.memory_space<hbm>>, %arg3: memref<2x16x79x128xi32, #tpu.memory_space<hbm>>, %arg4: memref<16x79x128xi32, #tpu.memory_space<hbm>>, %arg5: memref<2x10240x128xf32, #tpu.memory_space<hbm>>, %arg6: memref<80x128xf32, #tpu.memory_space<hbm>>, %arg7: memref<79x128xi32, #tpu.memory_space<vmem>>, %arg8: memref<79x128xi32, #tpu.memory_space<vmem>>, %arg9: memref<128x128xf32, #tpu.memory_space<vmem>>, %arg10: memref<10240x128xf32, #tpu.memory_space<vmem_shared>>, %arg11: memref<!tpu.dma_semaphore, #tpu.memory_space<semaphore_mem>>, %arg12: memref<80x128xf32, #tpu.memory_space<vmem>>, %arg13: memref<8x128xf32, #tpu.memory_space<vmem>>, %arg14: memref<8x128xf32, #tpu.memory_space<vmem>>) attributes {dimension_semantics = [#tpu.dimension_semantics<core_parallel>, #tpu.dimension_semantics<subcore_parallel>], iteration_bounds = array<i64: 2, 16>, scalar_prefetch = 0 : i64, scratch_operands = 8 : i64, tpu.core_type = #tpu.core_type<sc_vector_subcore>, window_params = [{transform_indices = #map}, {transform_indices = #map1}, {transform_indices = #map2}, {transform_indices = #map2}, {transform_indices = #map}]} {
    %broadcast_in_dim3A = arith.constant 0.000000e+00 : f32
    %broadcast_in_dim3A_0 = vector.broadcast %broadcast_in_dim3A : f32 to vector<16xf32>
    %broadcast_in_dim3A_1 = arith.constant 1.000000e+00 : f32
    %broadcast_in_dim3A_2 = vector.broadcast %broadcast_in_dim3A_1 : f32 to vector<16xf32>
    "tpu.region"() ({
      %run_scoped3A = tpu.sem_alloc : memref<!tpu.dma_semaphore, #tpu.memory_space<semaphore_mem>>
      %dma_start3A = arith.constant 0 : i32
      %dma_start3A_41 = arith.constant 0 : i32
      %dma_start3A_42 = tpu.memref_slice %arg3[%arg0, %arg1, %dma_start3A, %dma_start3A_41] : memref<2x16x79x128xi32, #tpu.memory_space<hbm>> -> memref<1x1x79x128xi32, #tpu.memory_space<hbm>>
      %dma_start3A_43 = tpu.memref_squeeze %dma_start3A_42 : memref<1x1x79x128xi32, #tpu.memory_space<hbm>> -> memref<79x128xi32, #tpu.memory_space<hbm>>
      %dma_start3A_44 = arith.constant 0 : i32
      %dma_start3A_45 = arith.constant 0 : i32
      %dma_start3A_46 = tpu.memref_slice %arg3[%arg0, %arg1, %dma_start3A_44, %dma_start3A_45] : memref<2x16x79x128xi32, #tpu.memory_space<hbm>> -> memref<1x1x79x128xi32, #tpu.memory_space<hbm>>
      %dma_start3A_47 = tpu.memref_squeeze %dma_start3A_46 : memref<1x1x79x128xi32, #tpu.memory_space<hbm>> -> memref<79x128xi32, #tpu.memory_space<hbm>>
      tpu.enqueue_dma source(%dma_start3A_47 : memref<79x128xi32, #tpu.memory_space<hbm>>) target(%arg7 : memref<79x128xi32, #tpu.memory_space<vmem>>) target_semaphore(%run_scoped3A : memref<!tpu.dma_semaphore, #tpu.memory_space<semaphore_mem>>)
      %dma_wait3A = arith.constant 0 : i32
      %dma_wait3A_48 = arith.constant 0 : i32
      %dma_wait3A_49 = tpu.memref_slice %arg3[%arg0, %arg1, %dma_wait3A, %dma_wait3A_48] : memref<2x16x79x128xi32, #tpu.memory_space<hbm>> -> memref<1x1x79x128xi32, #tpu.memory_space<hbm>>
      %dma_wait3A_50 = tpu.memref_squeeze %dma_wait3A_49 : memref<1x1x79x128xi32, #tpu.memory_space<hbm>> -> memref<79x128xi32, #tpu.memory_space<hbm>>
      %dma_wait3A_51 = arith.constant 0 : i32
      %dma_wait3A_52 = arith.constant 0 : i32
      %dma_wait3A_53 = tpu.memref_slice %arg3[%arg0, %arg1, %dma_wait3A_51, %dma_wait3A_52] : memref<2x16x79x128xi32, #tpu.memory_space<hbm>> -> memref<1x1x79x128xi32, #tpu.memory_space<hbm>>
      %dma_wait3A_54 = tpu.memref_squeeze %dma_wait3A_53 : memref<1x1x79x128xi32, #tpu.memory_space<hbm>> -> memref<79x128xi32, #tpu.memory_space<hbm>>
      tpu.wait_dma2 semaphore(%run_scoped3A : memref<!tpu.dma_semaphore, #tpu.memory_space<semaphore_mem>>) src(%dma_wait3A_54 : memref<79x128xi32, #tpu.memory_space<hbm>>) dst(%arg7 : memref<79x128xi32, #tpu.memory_space<vmem>>)
      tpu.yield
    }) : () -> ()
    "tpu.region"() ({
      %run_scoped3A = tpu.sem_alloc : memref<!tpu.dma_semaphore, #tpu.memory_space<semaphore_mem>>
      %dma_start3A = arith.constant 0 : i32
      %dma_start3A_41 = arith.constant 0 : i32
      %dma_start3A_42 = tpu.memref_slice %arg4[%arg1, %dma_start3A, %dma_start3A_41] : memref<16x79x128xi32, #tpu.memory_space<hbm>> -> memref<1x79x128xi32, #tpu.memory_space<hbm>>
      %dma_start3A_43 = tpu.memref_squeeze %dma_start3A_42 : memref<1x79x128xi32, #tpu.memory_space<hbm>> -> memref<79x128xi32, #tpu.memory_space<hbm>>
      %dma_start3A_44 = arith.constant 0 : i32
      %dma_start3A_45 = arith.constant 0 : i32
      %dma_start3A_46 = tpu.memref_slice %arg4[%arg1, %dma_start3A_44, %dma_start3A_45] : memref<16x79x128xi32, #tpu.memory_space<hbm>> -> memref<1x79x128xi32, #tpu.memory_space<hbm>>
      %dma_start3A_47 = tpu.memref_squeeze %dma_start3A_46 : memref<1x79x128xi32, #tpu.memory_space<hbm>> -> memref<79x128xi32, #tpu.memory_space<hbm>>
      tpu.enqueue_dma source(%dma_start3A_47 : memref<79x128xi32, #tpu.memory_space<hbm>>) target(%arg8 : memref<79x128xi32, #tpu.memory_space<vmem>>) target_semaphore(%run_scoped3A : memref<!tpu.dma_semaphore, #tpu.memory_space<semaphore_mem>>)
      %dma_wait3A = arith.constant 0 : i32
      %dma_wait3A_48 = arith.constant 0 : i32
      %dma_wait3A_49 = tpu.memref_slice %arg4[%arg1, %dma_wait3A, %dma_wait3A_48] : memref<16x79x128xi32, #tpu.memory_space<hbm>> -> memref<1x79x128xi32, #tpu.memory_space<hbm>>
      %dma_wait3A_50 = tpu.memref_squeeze %dma_wait3A_49 : memref<1x79x128xi32, #tpu.memory_space<hbm>> -> memref<79x128xi32, #tpu.memory_space<hbm>>
      %dma_wait3A_51 = arith.constant 0 : i32
      %dma_wait3A_52 = arith.constant 0 : i32
      %dma_wait3A_53 = tpu.memref_slice %arg4[%arg1, %dma_wait3A_51, %dma_wait3A_52] : memref<16x79x128xi32, #tpu.memory_space<hbm>> -> memref<1x79x128xi32, #tpu.memory_space<hbm>>
      %dma_wait3A_54 = tpu.memref_squeeze %dma_wait3A_53 : memref<1x79x128xi32, #tpu.memory_space<hbm>> -> memref<79x128xi32, #tpu.memory_space<hbm>>
      tpu.wait_dma2 semaphore(%run_scoped3A : memref<!tpu.dma_semaphore, #tpu.memory_space<semaphore_mem>>) src(%dma_wait3A_54 : memref<79x128xi32, #tpu.memory_space<hbm>>) dst(%arg8 : memref<79x128xi32, #tpu.memory_space<vmem>>)
      tpu.yield
    }) : () -> ()
    %scan3A = arith.constant 0 : i32
    %scan3A_3 = arith.constant 0 : i32
    %scan3A_4 = arith.constant 128 : i32
    %scan3A_5 = arith.addi %scan3A_3, %scan3A_4 : i32
    %scan3A_6 = arith.constant 1 : i32
    scf.for %scan3A_41 = %scan3A_3 to %scan3A_5 step %scan3A_6  : i32 {
      %swap3A = arith.index_cast %scan3A_41 : i32 to index
      %swap3A_42 = arith.constant 0 : index
      %swap3A_43 = tpu.vector_load %arg9[%swap3A, %swap3A_42] {strides = array<i32>} : memref<128x128xf32, #tpu.memory_space<vmem>>, vector<16xf32>,
      tpu.vector_store %arg9[%swap3A, %swap3A_42], %broadcast_in_dim3A_0 {strides = array<i32>} : memref<128x128xf32, #tpu.memory_space<vmem>>, vector<16xf32>,
      %swap3A_44 = arith.index_cast %scan3A_41 : i32 to index
      %swap3A_45 = arith.constant 16 : index
      %swap3A_46 = tpu.vector_load %arg9[%swap3A_44, %swap3A_45] {strides = array<i32>} : memref<128x128xf32, #tpu.memory_space<vmem>>, vector<16xf32>,
      tpu.vector_store %arg9[%swap3A_44, %swap3A_45], %broadcast_in_dim3A_0 {strides = array<i32>} : memref<128x128xf32, #tpu.memory_space<vmem>>, vector<16xf32>,
      %swap3A_47 = arith.index_cast %scan3A_41 : i32 to index
      %swap3A_48 = arith.constant 32 : index
      %swap3A_49 = tpu.vector_load %arg9[%swap3A_47, %swap3A_48] {strides = array<i32>} : memref<128x128xf32, #tpu.memory_space<vmem>>, vector<16xf32>,
      tpu.vector_store %arg9[%swap3A_47, %swap3A_48], %broadcast_in_dim3A_0 {strides = array<i32>} : memref<128x128xf32, #tpu.memory_space<vmem>>, vector<16xf32>,
      %swap3A_50 = arith.index_cast %scan3A_41 : i32 to index
      %swap3A_51 = arith.constant 48 : index
      %swap3A_52 = tpu.vector_load %arg9[%swap3A_50, %swap3A_51] {strides = array<i32>} : memref<128x128xf32, #tpu.memory_space<vmem>>, vector<16xf32>,
      tpu.vector_store %arg9[%swap3A_50, %swap3A_51], %broadcast_in_dim3A_0 {strides = array<i32>} : memref<128x128xf32, #tpu.memory_space<vmem>>, vector<16xf32>,
      %swap3A_53 = arith.index_cast %scan3A_41 : i32 to index
      %swap3A_54 = arith.constant 64 : index
      %swap3A_55 = tpu.vector_load %arg9[%swap3A_53, %swap3A_54] {strides = array<i32>} : memref<128x128xf32, #tpu.memory_space<vmem>>, vector<16xf32>,
      tpu.vector_store %arg9[%swap3A_53, %swap3A_54], %broadcast_in_dim3A_0 {strides = array<i32>} : memref<128x128xf32, #tpu.memory_space<vmem>>, vector<16xf32>,
      %swap3A_56 = arith.index_cast %scan3A_41 : i32 to index
      %swap3A_57 = arith.constant 80 : index
      %swap3A_58 = tpu.vector_load %arg9[%swap3A_56, %swap3A_57] {strides = array<i32>} : memref<128x128xf32, #tpu.memory_space<vmem>>, vector<16xf32>,
      tpu.vector_store %arg9[%swap3A_56, %swap3A_57], %broadcast_in_dim3A_0 {strides = array<i32>} : memref<128x128xf32, #tpu.memory_space<vmem>>, vector<16xf32>,
      %swap3A_59 = arith.index_cast %scan3A_41 : i32 to index
      %swap3A_60 = arith.constant 96 : index
      %swap3A_61 = tpu.vector_load %arg9[%swap3A_59, %swap3A_60] {strides = array<i32>} : memref<128x128xf32, #tpu.memory_space<vmem>>, vector<16xf32>,
      tpu.vector_store %arg9[%swap3A_59, %swap3A_60], %broadcast_in_dim3A_0 {strides = array<i32>} : memref<128x128xf32, #tpu.memory_space<vmem>>, vector<16xf32>,
      %swap3A_62 = arith.index_cast %scan3A_41 : i32 to index
      %swap3A_63 = arith.constant 112 : index
      %swap3A_64 = tpu.vector_load %arg9[%swap3A_62, %swap3A_63] {strides = array<i32>} : memref<128x128xf32, #tpu.memory_space<vmem>>, vector<16xf32>,
      tpu.vector_store %arg9[%swap3A_62, %swap3A_63], %broadcast_in_dim3A_0 {strides = array<i32>} : memref<128x128xf32, #tpu.memory_space<vmem>>, vector<16xf32>,
    }
    %scan3A_7 = arith.constant 128 : i32
    %mul3A = arith.constant 640 : i32
    %mul3A_8 = arith.muli %arg1, %mul3A : i32
    %add3A = arith.constant 0 : i32
    %add3A_9 = arith.addi %mul3A_8, %add3A : i32
    "tpu.region"() ({
      %run_scoped3A = tpu.sem_alloc : memref<!tpu.dma_semaphore, #tpu.memory_space<semaphore_mem>>
      %dma_start3A = arith.constant 0 : i32
      %dma_start3A_41 = tpu.memref_slice %arg10[%add3A_9, %dma_start3A] : memref<10240x128xf32, #tpu.memory_space<vmem_shared>> -> memref<128x128xf32, #tpu.memory_space<vmem_shared>>
      %dma_start3A_42 = arith.constant 0 : i32
      %dma_start3A_43 = tpu.memref_slice %arg10[%add3A_9, %dma_start3A_42] : memref<10240x128xf32, #tpu.memory_space<vmem_shared>> -> memref<128x128xf32, #tpu.memory_space<vmem_shared>>
      tpu.enqueue_dma source(%arg9 : memref<128x128xf32, #tpu.memory_space<vmem>>) target(%dma_start3A_43 : memref<128x128xf32, #tpu.memory_space<vmem_shared>>) target_semaphore(%run_scoped3A : memref<!tpu.dma_semaphore, #tpu.memory_space<semaphore_mem>>)
      %dma_wait3A = arith.constant 0 : i32
      %dma_wait3A_44 = tpu.memref_slice %arg10[%add3A_9, %dma_wait3A] : memref<10240x128xf32, #tpu.memory_space<vmem_shared>> -> memref<128x128xf32, #tpu.memory_space<vmem_shared>>
      %dma_wait3A_45 = arith.constant 0 : i32
      %dma_wait3A_46 = tpu.memref_slice %arg10[%add3A_9, %dma_wait3A_45] : memref<10240x128xf32, #tpu.memory_space<vmem_shared>> -> memref<128x128xf32, #tpu.memory_space<vmem_shared>>
      tpu.wait_dma2 semaphore(%run_scoped3A : memref<!tpu.dma_semaphore, #tpu.memory_space<semaphore_mem>>) src(%arg9 : memref<128x128xf32, #tpu.memory_space<vmem>>) dst(%dma_wait3A_46 : memref<128x128xf32, #tpu.memory_space<vmem_shared>>)
      tpu.yield
    }) : () -> ()
    %add3A_10 = arith.constant 128 : i32
    %add3A_11 = arith.addi %mul3A_8, %add3A_10 : i32
    "tpu.region"() ({
      %run_scoped3A = tpu.sem_alloc : memref<!tpu.dma_semaphore, #tpu.memory_space<semaphore_mem>>
      %dma_start3A = arith.constant 0 : i32
      %dma_start3A_41 = tpu.memref_slice %arg10[%add3A_11, %dma_start3A] : memref<10240x128xf32, #tpu.memory_space<vmem_shared>> -> memref<128x128xf32, #tpu.memory_space<vmem_shared>>
      %dma_start3A_42 = arith.constant 0 : i32
      %dma_start3A_43 = tpu.memref_slice %arg10[%add3A_11, %dma_start3A_42] : memref<10240x128xf32, #tpu.memory_space<vmem_shared>> -> memref<128x128xf32, #tpu.memory_space<vmem_shared>>
      tpu.enqueue_dma source(%arg9 : memref<128x128xf32, #tpu.memory_space<vmem>>) target(%dma_start3A_43 : memref<128x128xf32, #tpu.memory_space<vmem_shared>>) target_semaphore(%run_scoped3A : memref<!tpu.dma_semaphore, #tpu.memory_space<semaphore_mem>>)
      %dma_wait3A = arith.constant 0 : i32
      %dma_wait3A_44 = tpu.memref_slice %arg10[%add3A_11, %dma_wait3A] : memref<10240x128xf32, #tpu.memory_space<vmem_shared>> -> memref<128x128xf32, #tpu.memory_space<vmem_shared>>
      %dma_wait3A_45 = arith.constant 0 : i32
      %dma_wait3A_46 = tpu.memref_slice %arg10[%add3A_11, %dma_wait3A_45] : memref<10240x128xf32, #tpu.memory_space<vmem_shared>> -> memref<128x128xf32, #tpu.memory_space<vmem_shared>>
      tpu.wait_dma2 semaphore(%run_scoped3A : memref<!tpu.dma_semaphore, #tpu.memory_space<semaphore_mem>>) src(%arg9 : memref<128x128xf32, #tpu.memory_space<vmem>>) dst(%dma_wait3A_46 : memref<128x128xf32, #tpu.memory_space<vmem_shared>>)
      tpu.yield
    }) : () -> ()
    %add3A_12 = arith.constant 256 : i32
    %add3A_13 = arith.addi %mul3A_8, %add3A_12 : i32
    "tpu.region"() ({
      %run_scoped3A = tpu.sem_alloc : memref<!tpu.dma_semaphore, #tpu.memory_space<semaphore_mem>>
      %dma_start3A = arith.constant 0 : i32
      %dma_start3A_41 = tpu.memref_slice %arg10[%add3A_13, %dma_start3A] : memref<10240x128xf32, #tpu.memory_space<vmem_shared>> -> memref<128x128xf32, #tpu.memory_space<vmem_shared>>
      %dma_start3A_42 = arith.constant 0 : i32
      %dma_start3A_43 = tpu.memref_slice %arg10[%add3A_13, %dma_start3A_42] : memref<10240x128xf32, #tpu.memory_space<vmem_shared>> -> memref<128x128xf32, #tpu.memory_space<vmem_shared>>
      tpu.enqueue_dma source(%arg9 : memref<128x128xf32, #tpu.memory_space<vmem>>) target(%dma_start3A_43 : memref<128x128xf32, #tpu.memory_space<vmem_shared>>) target_semaphore(%run_scoped3A : memref<!tpu.dma_semaphore, #tpu.memory_space<semaphore_mem>>)
      %dma_wait3A = arith.constant 0 : i32
      %dma_wait3A_44 = tpu.memref_slice %arg10[%add3A_13, %dma_wait3A] : memref<10240x128xf32, #tpu.memory_space<vmem_shared>> -> memref<128x128xf32, #tpu.memory_space<vmem_shared>>
      %dma_wait3A_45 = arith.constant 0 : i32
      %dma_wait3A_46 = tpu.memref_slice %arg10[%add3A_13, %dma_wait3A_45] : memref<10240x128xf32, #tpu.memory_space<vmem_shared>> -> memref<128x128xf32, #tpu.memory_space<vmem_shared>>
      tpu.wait_dma2 semaphore(%run_scoped3A : memref<!tpu.dma_semaphore, #tpu.memory_space<semaphore_mem>>) src(%arg9 : memref<128x128xf32, #tpu.memory_space<vmem>>) dst(%dma_wait3A_46 : memref<128x128xf32, #tpu.memory_space<vmem_shared>>)
      tpu.yield
    }) : () -> ()
    %add3A_14 = arith.constant 384 : i32
    %add3A_15 = arith.addi %mul3A_8, %add3A_14 : i32
    "tpu.region"() ({
      %run_scoped3A = tpu.sem_alloc : memref<!tpu.dma_semaphore, #tpu.memory_space<semaphore_mem>>
      %dma_start3A = arith.constant 0 : i32
      %dma_start3A_41 = tpu.memref_slice %arg10[%add3A_15, %dma_start3A] : memref<10240x128xf32, #tpu.memory_space<vmem_shared>> -> memref<128x128xf32, #tpu.memory_space<vmem_shared>>
      %dma_start3A_42 = arith.constant 0 : i32
      %dma_start3A_43 = tpu.memref_slice %arg10[%add3A_15, %dma_start3A_42] : memref<10240x128xf32, #tpu.memory_space<vmem_shared>> -> memref<128x128xf32, #tpu.memory_space<vmem_shared>>
      tpu.enqueue_dma source(%arg9 : memref<128x128xf32, #tpu.memory_space<vmem>>) target(%dma_start3A_43 : memref<128x128xf32, #tpu.memory_space<vmem_shared>>) target_semaphore(%run_scoped3A : memref<!tpu.dma_semaphore, #tpu.memory_space<semaphore_mem>>)
      %dma_wait3A = arith.constant 0 : i32
      %dma_wait3A_44 = tpu.memref_slice %arg10[%add3A_15, %dma_wait3A] : memref<10240x128xf32, #tpu.memory_space<vmem_shared>> -> memref<128x128xf32, #tpu.memory_space<vmem_shared>>
      %dma_wait3A_45 = arith.constant 0 : i32
      %dma_wait3A_46 = tpu.memref_slice %arg10[%add3A_15, %dma_wait3A_45] : memref<10240x128xf32, #tpu.memory_space<vmem_shared>> -> memref<128x128xf32, #tpu.memory_space<vmem_shared>>
      tpu.wait_dma2 semaphore(%run_scoped3A : memref<!tpu.dma_semaphore, #tpu.memory_space<semaphore_mem>>) src(%arg9 : memref<128x128xf32, #tpu.memory_space<vmem>>) dst(%dma_wait3A_46 : memref<128x128xf32, #tpu.memory_space<vmem_shared>>)
      tpu.yield
    }) : () -> ()
    %add3A_16 = arith.constant 512 : i32
    %add3A_17 = arith.addi %mul3A_8, %add3A_16 : i32
    "tpu.region"() ({
      %run_scoped3A = tpu.sem_alloc : memref<!tpu.dma_semaphore, #tpu.memory_space<semaphore_mem>>
      %dma_start3A = arith.constant 0 : i32
      %dma_start3A_41 = tpu.memref_slice %arg10[%add3A_17, %dma_start3A] : memref<10240x128xf32, #tpu.memory_space<vmem_shared>> -> memref<128x128xf32, #tpu.memory_space<vmem_shared>>
      %dma_start3A_42 = arith.constant 0 : i32
      %dma_start3A_43 = tpu.memref_slice %arg10[%add3A_17, %dma_start3A_42] : memref<10240x128xf32, #tpu.memory_space<vmem_shared>> -> memref<128x128xf32, #tpu.memory_space<vmem_shared>>
      tpu.enqueue_dma source(%arg9 : memref<128x128xf32, #tpu.memory_space<vmem>>) target(%dma_start3A_43 : memref<128x128xf32, #tpu.memory_space<vmem_shared>>) target_semaphore(%run_scoped3A : memref<!tpu.dma_semaphore, #tpu.memory_space<semaphore_mem>>)
      %dma_wait3A = arith.constant 0 : i32
      %dma_wait3A_44 = tpu.memref_slice %arg10[%add3A_17, %dma_wait3A] : memref<10240x128xf32, #tpu.memory_space<vmem_shared>> -> memref<128x128xf32, #tpu.memory_space<vmem_shared>>
      %dma_wait3A_45 = arith.constant 0 : i32
      %dma_wait3A_46 = tpu.memref_slice %arg10[%add3A_17, %dma_wait3A_45] : memref<10240x128xf32, #tpu.memory_space<vmem_shared>> -> memref<128x128xf32, #tpu.memory_space<vmem_shared>>
      tpu.wait_dma2 semaphore(%run_scoped3A : memref<!tpu.dma_semaphore, #tpu.memory_space<semaphore_mem>>) src(%arg9 : memref<128x128xf32, #tpu.memory_space<vmem>>) dst(%dma_wait3A_46 : memref<128x128xf32, #tpu.memory_space<vmem_shared>>)
      tpu.yield
    }) : () -> ()
    %scan3A_18 = arith.constant 0 : i32
    %scan3A_19 = arith.constant 0 : i32
    %scan3A_20 = arith.constant 80 : i32
    %scan3A_21 = arith.addi %scan3A_19, %scan3A_20 : i32
    %scan3A_22 = arith.constant 1 : i32
    scf.for %scan3A_41 = %scan3A_19 to %scan3A_21 step %scan3A_22  : i32 {
      %swap3A = arith.index_cast %scan3A_41 : i32 to index
      %swap3A_42 = arith.constant 0 : index
      %swap3A_43 = tpu.vector_load %arg12[%swap3A, %swap3A_42] {strides = array<i32>} : memref<80x128xf32, #tpu.memory_space<vmem>>, vector<16xf32>,
      tpu.vector_store %arg12[%swap3A, %swap3A_42], %broadcast_in_dim3A_0 {strides = array<i32>} : memref<80x128xf32, #tpu.memory_space<vmem>>, vector<16xf32>,
      %swap3A_44 = arith.index_cast %scan3A_41 : i32 to index
      %swap3A_45 = arith.constant 16 : index
      %swap3A_46 = tpu.vector_load %arg12[%swap3A_44, %swap3A_45] {strides = array<i32>} : memref<80x128xf32, #tpu.memory_space<vmem>>, vector<16xf32>,
      tpu.vector_store %arg12[%swap3A_44, %swap3A_45], %broadcast_in_dim3A_0 {strides = array<i32>} : memref<80x128xf32, #tpu.memory_space<vmem>>, vector<16xf32>,
      %swap3A_47 = arith.index_cast %scan3A_41 : i32 to index
      %swap3A_48 = arith.constant 32 : index
      %swap3A_49 = tpu.vector_load %arg12[%swap3A_47, %swap3A_48] {strides = array<i32>} : memref<80x128xf32, #tpu.memory_space<vmem>>, vector<16xf32>,
      tpu.vector_store %arg12[%swap3A_47, %swap3A_48], %broadcast_in_dim3A_0 {strides = array<i32>} : memref<80x128xf32, #tpu.memory_space<vmem>>, vector<16xf32>,
      %swap3A_50 = arith.index_cast %scan3A_41 : i32 to index
      %swap3A_51 = arith.constant 48 : index
      %swap3A_52 = tpu.vector_load %arg12[%swap3A_50, %swap3A_51] {strides = array<i32>} : memref<80x128xf32, #tpu.memory_space<vmem>>, vector<16xf32>,
      tpu.vector_store %arg12[%swap3A_50, %swap3A_51], %broadcast_in_dim3A_0 {strides = array<i32>} : memref<80x128xf32, #tpu.memory_space<vmem>>, vector<16xf32>,
      %swap3A_53 = arith.index_cast %scan3A_41 : i32 to index
      %swap3A_54 = arith.constant 64 : index
      %swap3A_55 = tpu.vector_load %arg12[%swap3A_53, %swap3A_54] {strides = array<i32>} : memref<80x128xf32, #tpu.memory_space<vmem>>, vector<16xf32>,
      tpu.vector_store %arg12[%swap3A_53, %swap3A_54], %broadcast_in_dim3A_0 {strides = array<i32>} : memref<80x128xf32, #tpu.memory_space<vmem>>, vector<16xf32>,
      %swap3A_56 = arith.index_cast %scan3A_41 : i32 to index
      %swap3A_57 = arith.constant 80 : index
      %swap3A_58 = tpu.vector_load %arg12[%swap3A_56, %swap3A_57] {strides = array<i32>} : memref<80x128xf32, #tpu.memory_space<vmem>>, vector<16xf32>,
      tpu.vector_store %arg12[%swap3A_56, %swap3A_57], %broadcast_in_dim3A_0 {strides = array<i32>} : memref<80x128xf32, #tpu.memory_space<vmem>>, vector<16xf32>,
      %swap3A_59 = arith.index_cast %scan3A_41 : i32 to index
      %swap3A_60 = arith.constant 96 : index
      %swap3A_61 = tpu.vector_load %arg12[%swap3A_59, %swap3A_60] {strides = array<i32>} : memref<80x128xf32, #tpu.memory_space<vmem>>, vector<16xf32>,
      tpu.vector_store %arg12[%swap3A_59, %swap3A_60], %broadcast_in_dim3A_0 {strides = array<i32>} : memref<80x128xf32, #tpu.memory_space<vmem>>, vector<16xf32>,
      %swap3A_62 = arith.index_cast %scan3A_41 : i32 to index
      %swap3A_63 = arith.constant 112 : index
      %swap3A_64 = tpu.vector_load %arg12[%swap3A_62, %swap3A_63] {strides = array<i32>} : memref<80x128xf32, #tpu.memory_space<vmem>>, vector<16xf32>,
      tpu.vector_store %arg12[%swap3A_62, %swap3A_63], %broadcast_in_dim3A_0 {strides = array<i32>} : memref<80x128xf32, #tpu.memory_space<vmem>>, vector<16xf32>,
    }
    %scan3A_23 = arith.constant 80 : i32
    %barrier3A = arith.constant 0 : index
    tpu.barrier barrier_id(%barrier3A)
    %scan3A_24 = arith.constant 0 : i32
    %scan3A_25 = arith.constant 0 : i32
    %scan3A_26 = arith.constant 79 : i32
    %scan3A_27 = arith.addi %scan3A_25, %scan3A_26 : i32
    %scan3A_28 = arith.constant 1 : i32
    scf.for %scan3A_41 = %scan3A_25 to %scan3A_27 step %scan3A_28  : i32 {
      %dma_start3A = arith.constant 0 : i32
      %dma_start3A_42 = tpu.memref_slice %arg7[%scan3A_41, %dma_start3A] : memref<79x128xi32, #tpu.memory_space<vmem>> -> memref<1x128xi32, #tpu.memory_space<vmem>>
      %dma_start3A_43 = tpu.memref_squeeze %dma_start3A_42 : memref<1x128xi32, #tpu.memory_space<vmem>> -> memref<128xi32, #tpu.memory_space<vmem>>
      %dma_start3A_44 = arith.constant 0 : i32
      %dma_start3A_45 = arith.constant 0 : i32
      %dma_start3A_46 = tpu.memref_slice %arg2[%dma_start3A_44, %dma_start3A_45] : memref<20000x128xf32, #tpu.memory_space<hbm>> -> memref<20000x128xf32, #tpu.memory_space<hbm>>
      tpu.enqueue_indirect_dma source(%dma_start3A_46 : memref<20000x128xf32, #tpu.memory_space<hbm>>) target(%arg9 : memref<128x128xf32, #tpu.memory_space<vmem>>) offsets(%dma_start3A_43 : memref<128xi32, #tpu.memory_space<vmem>>) semaphore(%arg11 : memref<!tpu.dma_semaphore, #tpu.memory_space<semaphore_mem>>)
      %dma_wait3A = arith.constant 0 : i32
      %dma_wait3A_47 = tpu.memref_slice %arg7[%scan3A_41, %dma_wait3A] : memref<79x128xi32, #tpu.memory_space<vmem>> -> memref<1x128xi32, #tpu.memory_space<vmem>>
      %dma_wait3A_48 = tpu.memref_squeeze %dma_wait3A_47 : memref<1x128xi32, #tpu.memory_space<vmem>> -> memref<128xi32, #tpu.memory_space<vmem>>
      %dma_wait3A_49 = arith.constant 0 : i32
      %dma_wait3A_50 = arith.constant 0 : i32
      %dma_wait3A_51 = tpu.memref_slice %arg2[%dma_wait3A_49, %dma_wait3A_50] : memref<20000x128xf32, #tpu.memory_space<hbm>> -> memref<20000x128xf32, #tpu.memory_space<hbm>>
      tpu.wait_indirect_dma semaphore(%arg11 : memref<!tpu.dma_semaphore, #tpu.memory_space<semaphore_mem>>) src(%dma_wait3A_51 : memref<20000x128xf32, #tpu.memory_space<hbm>>) dst(%arg9 : memref<128x128xf32, #tpu.memory_space<vmem>>)
      "tpu.region"() ({
        %run_scoped3A = tpu.sem_alloc : memref<!tpu.dma_semaphore, #tpu.memory_space<semaphore_mem>>
        %dma_start3A_57 = arith.constant 0 : i32
        %dma_start3A_58 = tpu.memref_slice %arg8[%scan3A_41, %dma_start3A_57] : memref<79x128xi32, #tpu.memory_space<vmem>> -> memref<1x128xi32, #tpu.memory_space<vmem>>
        %dma_start3A_59 = tpu.memref_squeeze %dma_start3A_58 : memref<1x128xi32, #tpu.memory_space<vmem>> -> memref<128xi32, #tpu.memory_space<vmem>>
        %dma_start3A_60 = arith.constant 0 : i32
        %dma_start3A_61 = arith.constant 0 : i32
        %dma_start3A_62 = tpu.memref_slice %arg10[%dma_start3A_60, %dma_start3A_61] : memref<10240x128xf32, #tpu.memory_space<vmem_shared>> -> memref<10240x128xf32, #tpu.memory_space<vmem_shared>>
        tpu.enqueue_indirect_dma source(%arg9 : memref<128x128xf32, #tpu.memory_space<vmem>>) target(%dma_start3A_62 : memref<10240x128xf32, #tpu.memory_space<vmem_shared>>) offsets(%dma_start3A_59 : memref<128xi32, #tpu.memory_space<vmem>>) semaphore(%run_scoped3A : memref<!tpu.dma_semaphore, #tpu.memory_space<semaphore_mem>>) {add = true}
        %dma_wait3A_63 = arith.constant 0 : i32
        %dma_wait3A_64 = tpu.memref_slice %arg8[%scan3A_41, %dma_wait3A_63] : memref<79x128xi32, #tpu.memory_space<vmem>> -> memref<1x128xi32, #tpu.memory_space<vmem>>
        %dma_wait3A_65 = tpu.memref_squeeze %dma_wait3A_64 : memref<1x128xi32, #tpu.memory_space<vmem>> -> memref<128xi32, #tpu.memory_space<vmem>>
        %dma_wait3A_66 = arith.constant 0 : i32
        %dma_wait3A_67 = arith.constant 0 : i32
        %dma_wait3A_68 = tpu.memref_slice %arg10[%dma_wait3A_66, %dma_wait3A_67] : memref<10240x128xf32, #tpu.memory_space<vmem_shared>> -> memref<10240x128xf32, #tpu.memory_space<vmem_shared>>
        tpu.wait_indirect_dma semaphore(%run_scoped3A : memref<!tpu.dma_semaphore, #tpu.memory_space<semaphore_mem>>) src(%arg9 : memref<128x128xf32, #tpu.memory_space<vmem>>) dst(%dma_wait3A_68 : memref<10240x128xf32, #tpu.memory_space<vmem_shared>>)
        tpu.yield
      }) : () -> ()
      %eq3A_52 = arith.constant 0 : i32
      %eq3A_53 = arith.cmpi eq, %arg0, %eq3A_52 : i32
      %convert_element_type3A_54 = arith.extui %eq3A_53 : i1 to i32
      %cond3A_55 = arith.constant 0 : i32
      %cond3A_56 = arith.cmpi ne, %convert_element_type3A_54, %cond3A_55 : i32
      scf.if %cond3A_56 {
        %get3A = arith.index_cast %scan3A_41 : i32 to index
        %get3A_57 = arith.constant 0 : index
        %get3A_58 = tpu.vector_load %arg8[%get3A, %get3A_57] {strides = array<i32>} : memref<79x128xi32, #tpu.memory_space<vmem>>, vector<16xi32>,
        %shift_right_logical3A = arith.constant 7 : i32
        %shift_right_logical3A_59 = vector.broadcast %shift_right_logical3A : i32 to vector<16xi32>
        %shift_right_logical3A_60 = arith.shrui %get3A_58, %shift_right_logical3A_59 : vector<16xi32>
        %and3A_61 = arith.constant 127 : i32
        %and3A_62 = vector.broadcast %and3A_61 : i32 to vector<16xi32>
        %and3A_63 = arith.andi %get3A_58, %and3A_62 : vector<16xi32>
        tpu.vector_store_idx %arg12[%shift_right_logical3A_60, %and3A_63], %broadcast_in_dim3A_2 {add = true} : memref<80x128xf32, #tpu.memory_space<vmem>>[vector<16xi32>, vector<16xi32>], vector<16xf32>,
        %get3A_64 = arith.index_cast %scan3A_41 : i32 to index
        %get3A_65 = arith.constant 16 : index
        %get3A_66 = tpu.vector_load %arg8[%get3A_64, %get3A_65] {strides = array<i32>} : memref<79x128xi32, #tpu.memory_space<vmem>>, vector<16xi32>,
        %shift_right_logical3A_67 = arith.constant 7 : i32
        %shift_right_logical3A_68 = vector.broadcast %shift_right_logical3A_67 : i32 to vector<16xi32>
        %shift_right_logical3A_69 = arith.shrui %get3A_66, %shift_right_logical3A_68 : vector<16xi32>
        %and3A_70 = arith.constant 127 : i32
        %and3A_71 = vector.broadcast %and3A_70 : i32 to vector<16xi32>
        %and3A_72 = arith.andi %get3A_66, %and3A_71 : vector<16xi32>
        tpu.vector_store_idx %arg12[%shift_right_logical3A_69, %and3A_72], %broadcast_in_dim3A_2 {add = true} : memref<80x128xf32, #tpu.memory_space<vmem>>[vector<16xi32>, vector<16xi32>], vector<16xf32>,
        %get3A_73 = arith.index_cast %scan3A_41 : i32 to index
        %get3A_74 = arith.constant 32 : index
        %get3A_75 = tpu.vector_load %arg8[%get3A_73, %get3A_74] {strides = array<i32>} : memref<79x128xi32, #tpu.memory_space<vmem>>, vector<16xi32>,
        %shift_right_logical3A_76 = arith.constant 7 : i32
        %shift_right_logical3A_77 = vector.broadcast %shift_right_logical3A_76 : i32 to vector<16xi32>
        %shift_right_logical3A_78 = arith.shrui %get3A_75, %shift_right_logical3A_77 : vector<16xi32>
        %and3A_79 = arith.constant 127 : i32
        %and3A_80 = vector.broadcast %and3A_79 : i32 to vector<16xi32>
        %and3A_81 = arith.andi %get3A_75, %and3A_80 : vector<16xi32>
        tpu.vector_store_idx %arg12[%shift_right_logical3A_78, %and3A_81], %broadcast_in_dim3A_2 {add = true} : memref<80x128xf32, #tpu.memory_space<vmem>>[vector<16xi32>, vector<16xi32>], vector<16xf32>,
        %get3A_82 = arith.index_cast %scan3A_41 : i32 to index
        %get3A_83 = arith.constant 48 : index
        %get3A_84 = tpu.vector_load %arg8[%get3A_82, %get3A_83] {strides = array<i32>} : memref<79x128xi32, #tpu.memory_space<vmem>>, vector<16xi32>,
        %shift_right_logical3A_85 = arith.constant 7 : i32
        %shift_right_logical3A_86 = vector.broadcast %shift_right_logical3A_85 : i32 to vector<16xi32>
        %shift_right_logical3A_87 = arith.shrui %get3A_84, %shift_right_logical3A_86 : vector<16xi32>
        %and3A_88 = arith.constant 127 : i32
        %and3A_89 = vector.broadcast %and3A_88 : i32 to vector<16xi32>
        %and3A_90 = arith.andi %get3A_84, %and3A_89 : vector<16xi32>
        tpu.vector_store_idx %arg12[%shift_right_logical3A_87, %and3A_90], %broadcast_in_dim3A_2 {add = true} : memref<80x128xf32, #tpu.memory_space<vmem>>[vector<16xi32>, vector<16xi32>], vector<16xf32>,
        %get3A_91 = arith.index_cast %scan3A_41 : i32 to index
        %get3A_92 = arith.constant 64 : index
        %get3A_93 = tpu.vector_load %arg8[%get3A_91, %get3A_92] {strides = array<i32>} : memref<79x128xi32, #tpu.memory_space<vmem>>, vector<16xi32>,
        %shift_right_logical3A_94 = arith.constant 7 : i32
        %shift_right_logical3A_95 = vector.broadcast %shift_right_logical3A_94 : i32 to vector<16xi32>
        %shift_right_logical3A_96 = arith.shrui %get3A_93, %shift_right_logical3A_95 : vector<16xi32>
        %and3A_97 = arith.constant 127 : i32
        %and3A_98 = vector.broadcast %and3A_97 : i32 to vector<16xi32>
        %and3A_99 = arith.andi %get3A_93, %and3A_98 : vector<16xi32>
        tpu.vector_store_idx %arg12[%shift_right_logical3A_96, %and3A_99], %broadcast_in_dim3A_2 {add = true} : memref<80x128xf32, #tpu.memory_space<vmem>>[vector<16xi32>, vector<16xi32>], vector<16xf32>,
        %get3A_100 = arith.index_cast %scan3A_41 : i32 to index
        %get3A_101 = arith.constant 80 : index
        %get3A_102 = tpu.vector_load %arg8[%get3A_100, %get3A_101] {strides = array<i32>} : memref<79x128xi32, #tpu.memory_space<vmem>>, vector<16xi32>,
        %shift_right_logical3A_103 = arith.constant 7 : i32
        %shift_right_logical3A_104 = vector.broadcast %shift_right_logical3A_103 : i32 to vector<16xi32>
        %shift_right_logical3A_105 = arith.shrui %get3A_102, %shift_right_logical3A_104 : vector<16xi32>
        %and3A_106 = arith.constant 127 : i32
        %and3A_107 = vector.broadcast %and3A_106 : i32 to vector<16xi32>
        %and3A_108 = arith.andi %get3A_102, %and3A_107 : vector<16xi32>
        tpu.vector_store_idx %arg12[%shift_right_logical3A_105, %and3A_108], %broadcast_in_dim3A_2 {add = true} : memref<80x128xf32, #tpu.memory_space<vmem>>[vector<16xi32>, vector<16xi32>], vector<16xf32>,
        %get3A_109 = arith.index_cast %scan3A_41 : i32 to index
        %get3A_110 = arith.constant 96 : index
        %get3A_111 = tpu.vector_load %arg8[%get3A_109, %get3A_110] {strides = array<i32>} : memref<79x128xi32, #tpu.memory_space<vmem>>, vector<16xi32>,
        %shift_right_logical3A_112 = arith.constant 7 : i32
        %shift_right_logical3A_113 = vector.broadcast %shift_right_logical3A_112 : i32 to vector<16xi32>
        %shift_right_logical3A_114 = arith.shrui %get3A_111, %shift_right_logical3A_113 : vector<16xi32>
        %and3A_115 = arith.constant 127 : i32
        %and3A_116 = vector.broadcast %and3A_115 : i32 to vector<16xi32>
        %and3A_117 = arith.andi %get3A_111, %and3A_116 : vector<16xi32>
        tpu.vector_store_idx %arg12[%shift_right_logical3A_114, %and3A_117], %broadcast_in_dim3A_2 {add = true} : memref<80x128xf32, #tpu.memory_space<vmem>>[vector<16xi32>, vector<16xi32>], vector<16xf32>,
        %get3A_118 = arith.index_cast %scan3A_41 : i32 to index
        %get3A_119 = arith.constant 112 : index
        %get3A_120 = tpu.vector_load %arg8[%get3A_118, %get3A_119] {strides = array<i32>} : memref<79x128xi32, #tpu.memory_space<vmem>>, vector<16xi32>,
        %shift_right_logical3A_121 = arith.constant 7 : i32
        %shift_right_logical3A_122 = vector.broadcast %shift_right_logical3A_121 : i32 to vector<16xi32>
        %shift_right_logical3A_123 = arith.shrui %get3A_120, %shift_right_logical3A_122 : vector<16xi32>
        %and3A_124 = arith.constant 127 : i32
        %and3A_125 = vector.broadcast %and3A_124 : i32 to vector<16xi32>
        %and3A_126 = arith.andi %get3A_120, %and3A_125 : vector<16xi32>
        tpu.vector_store_idx %arg12[%shift_right_logical3A_123, %and3A_126], %broadcast_in_dim3A_2 {add = true} : memref<80x128xf32, #tpu.memory_space<vmem>>[vector<16xi32>, vector<16xi32>], vector<16xf32>,
      } else {
      }
    }
    %scan3A_29 = arith.constant 79 : i32
    %barrier3A_30 = arith.constant 0 : index
    tpu.barrier barrier_id(%barrier3A_30)
    "tpu.region"() ({
      %run_scoped3A = tpu.sem_alloc : memref<!tpu.dma_semaphore, #tpu.memory_space<semaphore_mem>>
      %dma_start3A = arith.constant 0 : i32
      %dma_start3A_41 = tpu.memref_slice %arg5[%arg0, %mul3A_8, %dma_start3A] : memref<2x10240x128xf32, #tpu.memory_space<hbm>> -> memref<1x640x128xf32, #tpu.memory_space<hbm>>
      %dma_start3A_42 = tpu.memref_squeeze %dma_start3A_41 : memref<1x640x128xf32, #tpu.memory_space<hbm>> -> memref<640x128xf32, #tpu.memory_space<hbm>>
      %dma_start3A_43 = arith.constant 0 : i32
      %dma_start3A_44 = tpu.memref_slice %arg10[%mul3A_8, %dma_start3A_43] : memref<10240x128xf32, #tpu.memory_space<vmem_shared>> -> memref<640x128xf32, #tpu.memory_space<vmem_shared>>
      tpu.enqueue_dma source(%dma_start3A_44 : memref<640x128xf32, #tpu.memory_space<vmem_shared>>) target(%dma_start3A_42 : memref<640x128xf32, #tpu.memory_space<hbm>>) target_semaphore(%run_scoped3A : memref<!tpu.dma_semaphore, #tpu.memory_space<semaphore_mem>>)
      %dma_wait3A = arith.constant 0 : i32
      %dma_wait3A_45 = tpu.memref_slice %arg5[%arg0, %mul3A_8, %dma_wait3A] : memref<2x10240x128xf32, #tpu.memory_space<hbm>> -> memref<1x640x128xf32, #tpu.memory_space<hbm>>
      %dma_wait3A_46 = tpu.memref_squeeze %dma_wait3A_45 : memref<1x640x128xf32, #tpu.memory_space<hbm>> -> memref<640x128xf32, #tpu.memory_space<hbm>>
      %dma_wait3A_47 = arith.constant 0 : i32
      %dma_wait3A_48 = tpu.memref_slice %arg10[%mul3A_8, %dma_wait3A_47] : memref<10240x128xf32, #tpu.memory_space<vmem_shared>> -> memref<640x128xf32, #tpu.memory_space<vmem_shared>>
      tpu.wait_dma2 semaphore(%run_scoped3A : memref<!tpu.dma_semaphore, #tpu.memory_space<semaphore_mem>>) src(%dma_wait3A_48 : memref<640x128xf32, #tpu.memory_space<vmem_shared>>) dst(%dma_wait3A_46 : memref<640x128xf32, #tpu.memory_space<hbm>>)
      tpu.yield
    }) : () -> ()
    %barrier3A_31 = arith.constant 0 : index
    tpu.barrier barrier_id(%barrier3A_31)
    %eq3A = arith.constant 0 : i32
    %eq3A_32 = arith.cmpi eq, %arg0, %eq3A : i32
    %convert_element_type3A = arith.extui %eq3A_32 : i1 to i32
    %cond3A = arith.constant 0 : i32
    %cond3A_33 = arith.cmpi ne, %convert_element_type3A, %cond3A : i32
    scf.if %cond3A_33 {
      %mul3A_41 = arith.constant 80 : i32
      %mul3A_42 = arith.muli %arg1, %mul3A_41 : i32
      "tpu.region"() ({
        %run_scoped3A = tpu.sem_alloc : memref<!tpu.dma_semaphore, #tpu.memory_space<semaphore_mem>>
        %dma_start3A = arith.constant 0 : i32
        %dma_start3A_43 = tpu.memref_slice %arg10[%mul3A_42, %dma_start3A] : memref<10240x128xf32, #tpu.memory_space<vmem_shared>> -> memref<80x128xf32, #tpu.memory_space<vmem_shared>>
        %dma_start3A_44 = arith.constant 0 : i32
        %dma_start3A_45 = tpu.memref_slice %arg10[%mul3A_42, %dma_start3A_44] : memref<10240x128xf32, #tpu.memory_space<vmem_shared>> -> memref<80x128xf32, #tpu.memory_space<vmem_shared>>
        tpu.enqueue_dma source(%arg12 : memref<80x128xf32, #tpu.memory_space<vmem>>) target(%dma_start3A_45 : memref<80x128xf32, #tpu.memory_space<vmem_shared>>) target_semaphore(%run_scoped3A : memref<!tpu.dma_semaphore, #tpu.memory_space<semaphore_mem>>)
        %dma_wait3A = arith.constant 0 : i32
        %dma_wait3A_46 = tpu.memref_slice %arg10[%mul3A_42, %dma_wait3A] : memref<10240x128xf32, #tpu.memory_space<vmem_shared>> -> memref<80x128xf32, #tpu.memory_space<vmem_shared>>
        %dma_wait3A_47 = arith.constant 0 : i32
        %dma_wait3A_48 = tpu.memref_slice %arg10[%mul3A_42, %dma_wait3A_47] : memref<10240x128xf32, #tpu.memory_space<vmem_shared>> -> memref<80x128xf32, #tpu.memory_space<vmem_shared>>
        tpu.wait_dma2 semaphore(%run_scoped3A : memref<!tpu.dma_semaphore, #tpu.memory_space<semaphore_mem>>) src(%arg12 : memref<80x128xf32, #tpu.memory_space<vmem>>) dst(%dma_wait3A_48 : memref<80x128xf32, #tpu.memory_space<vmem_shared>>)
        tpu.yield
      }) : () -> ()
    } else {
    }
    %barrier3A_34 = arith.constant 0 : index
    tpu.barrier barrier_id(%barrier3A_34)
    %eq3A_35 = arith.constant 0 : i32
    %eq3A_36 = arith.cmpi eq, %arg0, %eq3A_35 : i32
    %lt3A = arith.constant 10 : i32
    %lt3A_37 = arith.cmpi slt, %arg1, %lt3A : i32
    %and3A = arith.andi %eq3A_36, %lt3A_37 : i1
    %convert_element_type3A_38 = arith.extui %and3A : i1 to i32
    %cond3A_39 = arith.constant 0 : i32
    %cond3A_40 = arith.cmpi ne, %convert_element_type3A_38, %cond3A_39 : i32
    scf.if %cond3A_40 {
      %scan3A_41 = arith.constant 0 : i32
      %scan3A_42 = arith.constant 0 : i32
      %scan3A_43 = arith.constant 64 : i32
      %scan3A_44 = arith.addi %scan3A_42, %scan3A_43 : i32
      %scan3A_45 = arith.constant 1 : i32
      scf.for %scan3A_55 = %scan3A_42 to %scan3A_44 step %scan3A_45  : i32 {
        %jit3A = arith.constant 8 : i32
        %div3A = arith.divsi %scan3A_55, %jit3A : i32
        %sign3A = arith.constant 0 : i32
        %sign3A_56 = arith.cmpi sgt, %scan3A_55, %sign3A : i32
        %sign3A_57 = arith.extui %sign3A_56 : i1 to i32
        %sign3A_58 = arith.constant 0 : i32
        %sign3A_59 = arith.cmpi slt, %scan3A_55, %sign3A_58 : i32
        %sign3A_60 = arith.extui %sign3A_59 : i1 to i32
        %sign3A_61 = arith.subi %sign3A_57, %sign3A_60 : i32
        %sign3A_62 = arith.constant 0 : i32
        %sign3A_63 = arith.cmpi sgt, %jit3A, %sign3A_62 : i32
        %sign3A_64 = arith.extui %sign3A_63 : i1 to i32
        %sign3A_65 = arith.constant 0 : i32
        %sign3A_66 = arith.cmpi slt, %jit3A, %sign3A_65 : i32
        %sign3A_67 = arith.extui %sign3A_66 : i1 to i32
        %sign3A_68 = arith.subi %sign3A_64, %sign3A_67 : i32
        %ne3A = arith.cmpi ne, %sign3A_61, %sign3A_68 : i32
        %rem3A = arith.remsi %scan3A_55, %jit3A : i32
        %ne3A_69 = arith.constant 0 : i32
        %ne3A_70 = arith.cmpi ne, %rem3A, %ne3A_69 : i32
        %and3A_71 = arith.andi %ne3A, %ne3A_70 : i1
        %sub3A = arith.constant 1 : i32
        %sub3A_72 = arith.subi %div3A, %sub3A : i32
        %select_n3A = arith.select %and3A_71, %sub3A_72, %div3A : i32
        %jit3A_73 = arith.constant 8 : i32
        %eq3A_74 = arith.constant 0 : i32
        %eq3A_75 = arith.cmpi eq, %jit3A_73, %eq3A_74 : i32
        %jit3A_76 = arith.constant 1 : i32
        %select_n3A_77 = arith.select %eq3A_75, %jit3A_76, %jit3A_73 : i32
        %rem3A_78 = arith.remsi %scan3A_55, %select_n3A_77 : i32
        %ne3A_79 = arith.constant 0 : i32
        %ne3A_80 = arith.cmpi ne, %rem3A_78, %ne3A_79 : i32
        %lt3A_81 = arith.constant 0 : i32
        %lt3A_82 = arith.cmpi slt, %rem3A_78, %lt3A_81 : i32
        %lt3A_83 = arith.constant 0 : i32
        %lt3A_84 = arith.cmpi slt, %select_n3A_77, %lt3A_83 : i32
        %ne3A_85 = arith.xori %lt3A_82, %lt3A_84 : i1
        %and3A_86 = arith.andi %ne3A_85, %ne3A_80 : i1
        %add3A_87 = arith.addi %rem3A_78, %select_n3A_77 : i32
        %select_n3A_88 = arith.select %and3A_86, %add3A_87, %rem3A_78 : i32
        %mul3A_89 = arith.constant 16 : i32
        %mul3A_90 = arith.muli %select_n3A_88, %mul3A_89 : i32
        %swap3A = arith.index_cast %select_n3A : i32 to index
        %swap3A_91 = arith.index_cast %mul3A_90 : i32 to index
        %swap3A_92 = tpu.vector_load %arg14[%swap3A, %swap3A_91] {strides = array<i32>} : memref<8x128xf32, #tpu.memory_space<vmem>>, vector<16xf32>,
        tpu.vector_store %arg14[%swap3A, %swap3A_91], %broadcast_in_dim3A_0 {strides = array<i32>} : memref<8x128xf32, #tpu.memory_space<vmem>>, vector<16xf32>,
      }
      %scan3A_46 = arith.constant 64 : i32
      %scan3A_47 = arith.constant 0 : i32
      %scan3A_48 = arith.constant 0 : i32
      %scan3A_49 = arith.constant 16 : i32
      %scan3A_50 = arith.addi %scan3A_48, %scan3A_49 : i32
      %scan3A_51 = arith.constant 1 : i32
      scf.for %scan3A_55 = %scan3A_48 to %scan3A_50 step %scan3A_51  : i32 {
        %mul3A_56 = arith.constant 80 : i32
        %mul3A_57 = arith.muli %scan3A_55, %mul3A_56 : i32
        %mul3A_58 = arith.constant 8 : i32
        %mul3A_59 = arith.muli %arg1, %mul3A_58 : i32
        %add3A_60 = arith.addi %mul3A_57, %mul3A_59 : i32
        %multiple_of3A_61 = tpu.assume_multiple %add3A_60, 8 : i32
        "tpu.region"() ({
          %run_scoped3A = tpu.sem_alloc : memref<!tpu.dma_semaphore, #tpu.memory_space<semaphore_mem>>
          %dma_start3A = arith.constant 0 : i32
          %dma_start3A_67 = tpu.memref_slice %arg10[%multiple_of3A_61, %dma_start3A] : memref<10240x128xf32, #tpu.memory_space<vmem_shared>> -> memref<8x128xf32, #tpu.memory_space<vmem_shared>>
          %dma_start3A_68 = arith.constant 0 : i32
          %dma_start3A_69 = tpu.memref_slice %arg10[%multiple_of3A_61, %dma_start3A_68] : memref<10240x128xf32, #tpu.memory_space<vmem_shared>> -> memref<8x128xf32, #tpu.memory_space<vmem_shared>>
          tpu.enqueue_dma source(%dma_start3A_69 : memref<8x128xf32, #tpu.memory_space<vmem_shared>>) target(%arg13 : memref<8x128xf32, #tpu.memory_space<vmem>>) target_semaphore(%run_scoped3A : memref<!tpu.dma_semaphore, #tpu.memory_space<semaphore_mem>>)
          %dma_wait3A = arith.constant 0 : i32
          %dma_wait3A_70 = tpu.memref_slice %arg10[%multiple_of3A_61, %dma_wait3A] : memref<10240x128xf32, #tpu.memory_space<vmem_shared>> -> memref<8x128xf32, #tpu.memory_space<vmem_shared>>
          %dma_wait3A_71 = arith.constant 0 : i32
          %dma_wait3A_72 = tpu.memref_slice %arg10[%multiple_of3A_61, %dma_wait3A_71] : memref<10240x128xf32, #tpu.memory_space<vmem_shared>> -> memref<8x128xf32, #tpu.memory_space<vmem_shared>>
          tpu.wait_dma2 semaphore(%run_scoped3A : memref<!tpu.dma_semaphore, #tpu.memory_space<semaphore_mem>>) src(%dma_wait3A_72 : memref<8x128xf32, #tpu.memory_space<vmem_shared>>) dst(%arg13 : memref<8x128xf32, #tpu.memory_space<vmem>>)
          tpu.yield
        }) : () -> ()
        %scan3A_62 = arith.constant 0 : i32
        %scan3A_63 = arith.constant 64 : i32
        %scan3A_64 = arith.addi %scan3A_62, %scan3A_63 : i32
        %scan3A_65 = arith.constant 1 : i32
        scf.for %scan3A_67 = %scan3A_62 to %scan3A_64 step %scan3A_65  : i32 {
          %jit3A = arith.constant 8 : i32
          %div3A = arith.divsi %scan3A_67, %jit3A : i32
          %sign3A = arith.constant 0 : i32
          %sign3A_68 = arith.cmpi sgt, %scan3A_67, %sign3A : i32
          %sign3A_69 = arith.extui %sign3A_68 : i1 to i32
          %sign3A_70 = arith.constant 0 : i32
          %sign3A_71 = arith.cmpi slt, %scan3A_67, %sign3A_70 : i32
          %sign3A_72 = arith.extui %sign3A_71 : i1 to i32
          %sign3A_73 = arith.subi %sign3A_69, %sign3A_72 : i32
          %sign3A_74 = arith.constant 0 : i32
          %sign3A_75 = arith.cmpi sgt, %jit3A, %sign3A_74 : i32
          %sign3A_76 = arith.extui %sign3A_75 : i1 to i32
          %sign3A_77 = arith.constant 0 : i32
          %sign3A_78 = arith.cmpi slt, %jit3A, %sign3A_77 : i32
          %sign3A_79 = arith.extui %sign3A_78 : i1 to i32
          %sign3A_80 = arith.subi %sign3A_76, %sign3A_79 : i32
          %ne3A = arith.cmpi ne, %sign3A_73, %sign3A_80 : i32
          %rem3A = arith.remsi %scan3A_67, %jit3A : i32
          %ne3A_81 = arith.constant 0 : i32
          %ne3A_82 = arith.cmpi ne, %rem3A, %ne3A_81 : i32
          %and3A_83 = arith.andi %ne3A, %ne3A_82 : i1
          %sub3A = arith.constant 1 : i32
          %sub3A_84 = arith.subi %div3A, %sub3A : i32
          %select_n3A = arith.select %and3A_83, %sub3A_84, %div3A : i32
          %jit3A_85 = arith.constant 8 : i32
          %eq3A_86 = arith.constant 0 : i32
          %eq3A_87 = arith.cmpi eq, %jit3A_85, %eq3A_86 : i32
          %jit3A_88 = arith.constant 1 : i32
          %select_n3A_89 = arith.select %eq3A_87, %jit3A_88, %jit3A_85 : i32
          %rem3A_90 = arith.remsi %scan3A_67, %select_n3A_89 : i32
          %ne3A_91 = arith.constant 0 : i32
          %ne3A_92 = arith.cmpi ne, %rem3A_90, %ne3A_91 : i32
          %lt3A_93 = arith.constant 0 : i32
          %lt3A_94 = arith.cmpi slt, %rem3A_90, %lt3A_93 : i32
          %lt3A_95 = arith.constant 0 : i32
          %lt3A_96 = arith.cmpi slt, %select_n3A_89, %lt3A_95 : i32
          %ne3A_97 = arith.xori %lt3A_94, %lt3A_96 : i1
          %and3A_98 = arith.andi %ne3A_97, %ne3A_92 : i1
          %add3A_99 = arith.addi %rem3A_90, %select_n3A_89 : i32
          %select_n3A_100 = arith.select %and3A_98, %add3A_99, %rem3A_90 : i32
          %mul3A_101 = arith.constant 16 : i32
          %mul3A_102 = arith.muli %select_n3A_100, %mul3A_101 : i32
          %get3A = arith.index_cast %select_n3A : i32 to index
          %get3A_103 = arith.index_cast %mul3A_102 : i32 to index
          %get3A_104 = tpu.vector_load %arg14[%get3A, %get3A_103] {strides = array<i32>} : memref<8x128xf32, #tpu.memory_space<vmem>>, vector<16xf32>,
          %get3A_105 = arith.index_cast %select_n3A : i32 to index
          %get3A_106 = arith.index_cast %mul3A_102 : i32 to index
          %get3A_107 = tpu.vector_load %arg13[%get3A_105, %get3A_106] {strides = array<i32>} : memref<8x128xf32, #tpu.memory_space<vmem>>, vector<16xf32>,
          %add3A_108 = arith.addf %get3A_104, %get3A_107 : vector<16xf32>
          %swap3A = arith.index_cast %select_n3A : i32 to index
          %swap3A_109 = arith.index_cast %mul3A_102 : i32 to index
          %swap3A_110 = tpu.vector_load %arg14[%swap3A, %swap3A_109] {strides = array<i32>} : memref<8x128xf32, #tpu.memory_space<vmem>>, vector<16xf32>,
          tpu.vector_store %arg14[%swap3A, %swap3A_109], %add3A_108 {strides = array<i32>} : memref<8x128xf32, #tpu.memory_space<vmem>>, vector<16xf32>,
        }
        %scan3A_66 = arith.constant 64 : i32
      }
      %scan3A_52 = arith.constant 16 : i32
      %mul3A_53 = arith.constant 8 : i32
      %mul3A_54 = arith.muli %arg1, %mul3A_53 : i32
      %multiple_of3A = tpu.assume_multiple %mul3A_54, 8 : i32
      "tpu.region"() ({
        %run_scoped3A = tpu.sem_alloc : memref<!tpu.dma_semaphore, #tpu.memory_space<semaphore_mem>>
        %dma_start3A = arith.constant 0 : i32
        %dma_start3A_55 = tpu.memref_slice %arg6[%multiple_of3A, %dma_start3A] : memref<80x128xf32, #tpu.memory_space<hbm>> -> memref<8x128xf32, #tpu.memory_space<hbm>>
        %dma_start3A_56 = arith.constant 0 : i32
        %dma_start3A_57 = tpu.memref_slice %arg6[%multiple_of3A, %dma_start3A_56] : memref<80x128xf32, #tpu.memory_space<hbm>> -> memref<8x128xf32, #tpu.memory_space<hbm>>
        tpu.enqueue_dma source(%arg14 : memref<8x128xf32, #tpu.memory_space<vmem>>) target(%dma_start3A_57 : memref<8x128xf32, #tpu.memory_space<hbm>>) target_semaphore(%run_scoped3A : memref<!tpu.dma_semaphore, #tpu.memory_space<semaphore_mem>>)
        %dma_wait3A = arith.constant 0 : i32
        %dma_wait3A_58 = tpu.memref_slice %arg6[%multiple_of3A, %dma_wait3A] : memref<80x128xf32, #tpu.memory_space<hbm>> -> memref<8x128xf32, #tpu.memory_space<hbm>>
        %dma_wait3A_59 = arith.constant 0 : i32
        %dma_wait3A_60 = tpu.memref_slice %arg6[%multiple_of3A, %dma_wait3A_59] : memref<80x128xf32, #tpu.memory_space<hbm>> -> memref<8x128xf32, #tpu.memory_space<hbm>>
        tpu.wait_dma2 semaphore(%run_scoped3A : memref<!tpu.dma_semaphore, #tpu.memory_space<semaphore_mem>>) src(%arg14 : memref<8x128xf32, #tpu.memory_space<vmem>>) dst(%dma_wait3A_60 : memref<8x128xf32, #tpu.memory_space<hbm>>)
        tpu.yield
      }) : () -> ()
    } else {
    }
    return
  }
}

module attributes {stable_mosaic.version = 14 : i64} {
  func.func @_tc_layer_body(%arg0: i32, %arg1: memref<1000x256xf32, #tpu.memory_space<vmem>>, %arg2: memref<2x1000x128xf32, #tpu.memory_space<vmem>>, %arg3: memref<1000x1xf32, #tpu.memory_space<vmem>>, %arg4: memref<256x256xf32, #tpu.memory_space<vmem>>, %arg5: memref<256x256xf32, #tpu.memory_space<vmem>>, %arg6: memref<1x256xf32, #tpu.memory_space<vmem>>, %arg7: memref<1000x256xf32, #tpu.memory_space<vmem>>, %arg8: memref<2x1000x128xf32, #tpu.memory_space<vmem>>) attributes {dimension_semantics = [#tpu.dimension_semantics<arbitrary>], iteration_bounds = array<i64: 10>, scalar_prefetch = 0 : i64, scratch_operands = 0 : i64, tpu.core_type = #tpu.core_type<tc>, window_params = [{transform_indices = @transform_0, window_bounds = array<i64: 1000, 256>}, {transform_indices = @transform_1, window_bounds = array<i64: 2, 1000, 128>}, {transform_indices = @transform_2, window_bounds = array<i64: 1000, 1>}, {pipeline_mode = #tpu.pipeline_mode<synchronous>, transform_indices = @transform_3, window_bounds = array<i64: 256, 256>}, {pipeline_mode = #tpu.pipeline_mode<synchronous>, transform_indices = @transform_4, window_bounds = array<i64: 256, 256>}, {pipeline_mode = #tpu.pipeline_mode<synchronous>, transform_indices = @transform_5, window_bounds = array<i64: 1, 256>}, {transform_indices = @transform_6, window_bounds = array<i64: 1000, 256>}, {transform_indices = @transform_7, window_bounds = array<i64: 2, 1000, 128>}]} {
    %get3A = arith.constant 0 : index
    %get3A_0 = arith.constant 0 : index
    %get3A_1 = vector.load %arg3[%get3A, %get3A_0] : memref<1000x1xf32, #tpu.memory_space<vmem>>, vector<1000x1xf32>
    %max3A = arith.constant 1.000000e+00 : f32
    %max3A_2 = vector.broadcast %max3A : f32 to vector<1000x1xf32>
    %max3A_3 = arith.maximumf %get3A_1, %max3A_2 : vector<1000x1xf32>
    %div3A = arith.constant 1.000000e+00 : f32
    %div3A_4 = vector.broadcast %div3A : f32 to vector<1000x1xf32>
    %div3A_5 = arith.divf %div3A_4, %max3A_3 : vector<1000x1xf32>
    %get3A_6 = arith.constant 0 : index
    %get3A_7 = arith.constant 0 : index
    %get3A_8 = arith.constant 0 : index
    %get3A_9 = vector.load %arg2[%get3A_6, %get3A_7, %get3A_8] : memref<2x1000x128xf32, #tpu.memory_space<vmem>>, vector<1x1000x128xf32>
    %get3A_10 = vector.shape_cast %get3A_9 : vector<1x1000x128xf32> to vector<1000x128xf32>
    %mul3A = vector.broadcast %div3A_5 : vector<1000x1xf32> to vector<1000x128xf32>
    %mul3A_11 = arith.mulf %get3A_10, %mul3A : vector<1000x128xf32>
    %get3A_12 = arith.constant 1 : index
    %get3A_13 = arith.constant 0 : index
    %get3A_14 = arith.constant 0 : index
    %get3A_15 = vector.load %arg2[%get3A_12, %get3A_13, %get3A_14] : memref<2x1000x128xf32, #tpu.memory_space<vmem>>, vector<1x1000x128xf32>
    %get3A_16 = vector.shape_cast %get3A_15 : vector<1x1000x128xf32> to vector<1000x128xf32>
    %mul3A_17 = vector.broadcast %div3A_5 : vector<1000x1xf32> to vector<1000x128xf32>
    %mul3A_18 = arith.mulf %get3A_16, %mul3A_17 : vector<1000x128xf32>
    %get3A_19 = arith.constant 0 : index
    %get3A_20 = arith.constant 0 : index
    %get3A_21 = vector.load %arg1[%get3A_19, %get3A_20] : memref<1000x256xf32, #tpu.memory_space<vmem>>, vector<1000x256xf32>
    %get3A_22 = arith.constant 0 : index
    %get3A_23 = arith.constant 0 : index
    %get3A_24 = vector.load %arg4[%get3A_22, %get3A_23] : memref<256x256xf32, #tpu.memory_space<vmem>>, vector<256x256xf32>
    %dot_general3A = arith.constant dense<0.000000e+00> : vector<1000x256xf32>
    %dot_general3A_25 = tpu.matmul %get3A_21, %get3A_24, %dot_general3A {dimension_numbers = #tpu.dot_dimension_numbers<[1], [0], [0], [1], [0, 0, 1, 1], [], []>, transpose_lhs_hint = false} : vector<1000x256xf32>, vector<256x256xf32>, vector<1000x256xf32> -> vector<1000x256xf32>
    %get3A_26 = arith.constant 0 : index
    %get3A_27 = arith.constant 0 : index
    %get3A_28 = vector.load %arg5[%get3A_26, %get3A_27] : memref<256x256xf32, #tpu.memory_space<vmem>>, vector<128x256xf32>
    %dot_general3A_29 = arith.constant dense<0.000000e+00> : vector<1000x256xf32>
    %dot_general3A_30 = tpu.matmul %mul3A_11, %get3A_28, %dot_general3A_29 {dimension_numbers = #tpu.dot_dimension_numbers<[1], [0], [0], [1], [0, 0, 1, 1], [], []>, transpose_lhs_hint = false} : vector<1000x128xf32>, vector<128x256xf32>, vector<1000x256xf32> -> vector<1000x256xf32>
    %add3A = arith.addf %dot_general3A_25, %dot_general3A_30 : vector<1000x256xf32>
    %get3A_31 = arith.constant 128 : index
    %get3A_32 = arith.constant 0 : index
    %get3A_33 = vector.load %arg5[%get3A_31, %get3A_32] : memref<256x256xf32, #tpu.memory_space<vmem>>, vector<128x256xf32>
    %dot_general3A_34 = arith.constant dense<0.000000e+00> : vector<1000x256xf32>
    %dot_general3A_35 = tpu.matmul %mul3A_18, %get3A_33, %dot_general3A_34 {dimension_numbers = #tpu.dot_dimension_numbers<[1], [0], [0], [1], [0, 0, 1, 1], [], []>, transpose_lhs_hint = false} : vector<1000x128xf32>, vector<128x256xf32>, vector<1000x256xf32> -> vector<1000x256xf32>
    %add3A_36 = arith.addf %add3A, %dot_general3A_35 : vector<1000x256xf32>
    %get3A_37 = arith.constant 0 : index
    %get3A_38 = arith.constant 0 : index
    %get3A_39 = vector.load %arg6[%get3A_37, %get3A_38] : memref<1x256xf32, #tpu.memory_space<vmem>>, vector<1x256xf32>
    %add3A_40 = vector.broadcast %get3A_39 : vector<1x256xf32> to vector<1000x256xf32>
    %add3A_41 = arith.addf %add3A_36, %add3A_40 : vector<1000x256xf32>
    %max3A_42 = arith.constant 0.000000e+00 : f32
    %max3A_43 = vector.broadcast %max3A_42 : f32 to vector<1000x256xf32>
    %max3A_44 = arith.maximumf %add3A_41, %max3A_43 : vector<1000x256xf32>
    %swap3A = arith.constant 0 : index
    %swap3A_45 = arith.constant 0 : index
    %swap3A_46 = vector.load %arg7[%swap3A, %swap3A_45] : memref<1000x256xf32, #tpu.memory_space<vmem>>, vector<1000x256xf32>
    tpu.vector_store %arg7[%swap3A, %swap3A_45], %max3A_44 {strides = array<i32>} : memref<1000x256xf32, #tpu.memory_space<vmem>>, vector<1000x256xf32>,
    %slice3A = vector.extract_strided_slice %max3A_44 {offsets = [0, 0], sizes = [1000, 128], strides = [1, 1]} : vector<1000x256xf32> to vector<1000x128xf32>
    %swap3A_47 = arith.constant 0 : index
    %swap3A_48 = arith.constant 0 : index
    %swap3A_49 = arith.constant 0 : index
    %swap3A_50 = vector.load %arg8[%swap3A_47, %swap3A_48, %swap3A_49] : memref<2x1000x128xf32, #tpu.memory_space<vmem>>, vector<1x1000x128xf32>
    %swap3A_51 = vector.shape_cast %swap3A_50 : vector<1x1000x128xf32> to vector<1000x128xf32>
    %swap3A_52 = vector.shape_cast %slice3A : vector<1000x128xf32> to vector<1x1000x128xf32>
    tpu.vector_store %arg8[%swap3A_47, %swap3A_48, %swap3A_49], %swap3A_52 {strides = array<i32>} : memref<2x1000x128xf32, #tpu.memory_space<vmem>>, vector<1x1000x128xf32>,
    %slice3A_53 = vector.extract_strided_slice %max3A_44 {offsets = [0, 128], sizes = [1000, 128], strides = [1, 1]} : vector<1000x256xf32> to vector<1000x128xf32>
    %swap3A_54 = arith.constant 1 : index
    %swap3A_55 = arith.constant 0 : index
    %swap3A_56 = arith.constant 0 : index
    %swap3A_57 = vector.load %arg8[%swap3A_54, %swap3A_55, %swap3A_56] : memref<2x1000x128xf32, #tpu.memory_space<vmem>>, vector<1x1000x128xf32>
    %swap3A_58 = vector.shape_cast %swap3A_57 : vector<1x1000x128xf32> to vector<1000x128xf32>
    %swap3A_59 = vector.shape_cast %slice3A_53 : vector<1000x128xf32> to vector<1x1000x128xf32>
    tpu.vector_store %arg8[%swap3A_54, %swap3A_55, %swap3A_56], %swap3A_59 {strides = array<i32>} : memref<2x1000x128xf32, #tpu.memory_space<vmem>>, vector<1x1000x128xf32>,
    return
  }
  func.func @transform_0(%arg0: i32) -> (i32, i32) {
    %c0_i32 = arith.constant 0 : i32
    %c0_i32_0 = arith.constant 0 : i32
    return %arg0, %c0_i32 : i32, i32
  }
  func.func @transform_1(%arg0: i32) -> (i32, i32, i32) {
    %c0_i32 = arith.constant 0 : i32
    %c0_i32_0 = arith.constant 0 : i32
    %c0_i32_1 = arith.constant 0 : i32
    return %c0_i32, %arg0, %c0_i32_0 : i32, i32, i32
  }
  func.func @transform_2(%arg0: i32) -> (i32, i32) {
    %c0_i32 = arith.constant 0 : i32
    %c0_i32_0 = arith.constant 0 : i32
    return %arg0, %c0_i32 : i32, i32
  }
  func.func @transform_3(%arg0: i32) -> (i32, i32) {
    %c0_i32 = arith.constant 0 : i32
    %c0_i32_0 = arith.constant 0 : i32
    %c0_i32_1 = arith.constant 0 : i32
    return %c0_i32, %c0_i32_0 : i32, i32
  }
  func.func @transform_4(%arg0: i32) -> (i32, i32) {
    %c0_i32 = arith.constant 0 : i32
    %c0_i32_0 = arith.constant 0 : i32
    %c0_i32_1 = arith.constant 0 : i32
    return %c0_i32, %c0_i32_0 : i32, i32
  }
  func.func @transform_5(%arg0: i32) -> (i32, i32) {
    %c0_i32 = arith.constant 0 : i32
    %c0_i32_0 = arith.constant 0 : i32
    %c0_i32_1 = arith.constant 0 : i32
    return %c0_i32, %c0_i32_0 : i32, i32
  }
  func.func @transform_6(%arg0: i32) -> (i32, i32) {
    %c0_i32 = arith.constant 0 : i32
    %c0_i32_0 = arith.constant 0 : i32
    return %arg0, %c0_i32 : i32, i32
  }
  func.func @transform_7(%arg0: i32) -> (i32, i32, i32) {
    %c0_i32 = arith.constant 0 : i32
    %c0_i32_0 = arith.constant 0 : i32
    %c0_i32_1 = arith.constant 0 : i32
    return %c0_i32, %arg0, %c0_i32_0 : i32, i32, i32
  }
}

module attributes {stable_mosaic.version = 14 : i64} {
  func.func @_tc_layer_body(%arg0: i32, %arg1: memref<1000x256xf32, #tpu.memory_space<vmem>>, %arg2: memref<2x1000x128xf32, #tpu.memory_space<vmem>>, %arg3: memref<1000x1xf32, #tpu.memory_space<vmem>>, %arg4: memref<256x256xf32, #tpu.memory_space<vmem>>, %arg5: memref<256x256xf32, #tpu.memory_space<vmem>>, %arg6: memref<1x256xf32, #tpu.memory_space<vmem>>, %arg7: memref<1000x256xf32, #tpu.memory_space<vmem>>, %arg8: memref<2x1000x128xf32, #tpu.memory_space<vmem>>) attributes {dimension_semantics = [#tpu.dimension_semantics<arbitrary>], iteration_bounds = array<i64: 10>, scalar_prefetch = 0 : i64, scratch_operands = 0 : i64, tpu.core_type = #tpu.core_type<tc>, window_params = [{transform_indices = @transform_0, window_bounds = array<i64: 1000, 256>}, {transform_indices = @transform_1, window_bounds = array<i64: 2, 1000, 128>}, {transform_indices = @transform_2, window_bounds = array<i64: 1000, 1>}, {pipeline_mode = #tpu.pipeline_mode<synchronous>, transform_indices = @transform_3, window_bounds = array<i64: 256, 256>}, {pipeline_mode = #tpu.pipeline_mode<synchronous>, transform_indices = @transform_4, window_bounds = array<i64: 256, 256>}, {pipeline_mode = #tpu.pipeline_mode<synchronous>, transform_indices = @transform_5, window_bounds = array<i64: 1, 256>}, {transform_indices = @transform_6, window_bounds = array<i64: 1000, 256>}, {transform_indices = @transform_7, window_bounds = array<i64: 2, 1000, 128>}]} {
    %get3A = arith.constant 0 : index
    %get3A_0 = arith.constant 0 : index
    %get3A_1 = vector.load %arg3[%get3A, %get3A_0] : memref<1000x1xf32, #tpu.memory_space<vmem>>, vector<1000x1xf32>
    %max3A = arith.constant 1.000000e+00 : f32
    %max3A_2 = vector.broadcast %max3A : f32 to vector<1000x1xf32>
    %max3A_3 = arith.maximumf %get3A_1, %max3A_2 : vector<1000x1xf32>
    %div3A = arith.constant 1.000000e+00 : f32
    %div3A_4 = vector.broadcast %div3A : f32 to vector<1000x1xf32>
    %div3A_5 = arith.divf %div3A_4, %max3A_3 : vector<1000x1xf32>
    %get3A_6 = arith.constant 0 : index
    %get3A_7 = arith.constant 0 : index
    %get3A_8 = arith.constant 0 : index
    %get3A_9 = vector.load %arg2[%get3A_6, %get3A_7, %get3A_8] : memref<2x1000x128xf32, #tpu.memory_space<vmem>>, vector<1x1000x128xf32>
    %get3A_10 = vector.shape_cast %get3A_9 : vector<1x1000x128xf32> to vector<1000x128xf32>
    %mul3A = vector.broadcast %div3A_5 : vector<1000x1xf32> to vector<1000x128xf32>
    %mul3A_11 = arith.mulf %get3A_10, %mul3A : vector<1000x128xf32>
    %get3A_12 = arith.constant 1 : index
    %get3A_13 = arith.constant 0 : index
    %get3A_14 = arith.constant 0 : index
    %get3A_15 = vector.load %arg2[%get3A_12, %get3A_13, %get3A_14] : memref<2x1000x128xf32, #tpu.memory_space<vmem>>, vector<1x1000x128xf32>
    %get3A_16 = vector.shape_cast %get3A_15 : vector<1x1000x128xf32> to vector<1000x128xf32>
    %mul3A_17 = vector.broadcast %div3A_5 : vector<1000x1xf32> to vector<1000x128xf32>
    %mul3A_18 = arith.mulf %get3A_16, %mul3A_17 : vector<1000x128xf32>
    %get3A_19 = arith.constant 0 : index
    %get3A_20 = arith.constant 0 : index
    %get3A_21 = vector.load %arg1[%get3A_19, %get3A_20] : memref<1000x256xf32, #tpu.memory_space<vmem>>, vector<1000x256xf32>
    %get3A_22 = arith.constant 0 : index
    %get3A_23 = arith.constant 0 : index
    %get3A_24 = vector.load %arg4[%get3A_22, %get3A_23] : memref<256x256xf32, #tpu.memory_space<vmem>>, vector<256x256xf32>
    %dot_general3A = arith.constant dense<0.000000e+00> : vector<1000x256xf32>
    %dot_general3A_25 = tpu.matmul %get3A_21, %get3A_24, %dot_general3A {dimension_numbers = #tpu.dot_dimension_numbers<[1], [0], [0], [1], [0, 0, 1, 1], [], []>, transpose_lhs_hint = false} : vector<1000x256xf32>, vector<256x256xf32>, vector<1000x256xf32> -> vector<1000x256xf32>
    %get3A_26 = arith.constant 0 : index
    %get3A_27 = arith.constant 0 : index
    %get3A_28 = vector.load %arg5[%get3A_26, %get3A_27] : memref<256x256xf32, #tpu.memory_space<vmem>>, vector<128x256xf32>
    %dot_general3A_29 = arith.constant dense<0.000000e+00> : vector<1000x256xf32>
    %dot_general3A_30 = tpu.matmul %mul3A_11, %get3A_28, %dot_general3A_29 {dimension_numbers = #tpu.dot_dimension_numbers<[1], [0], [0], [1], [0, 0, 1, 1], [], []>, transpose_lhs_hint = false} : vector<1000x128xf32>, vector<128x256xf32>, vector<1000x256xf32> -> vector<1000x256xf32>
    %add3A = arith.addf %dot_general3A_25, %dot_general3A_30 : vector<1000x256xf32>
    %get3A_31 = arith.constant 128 : index
    %get3A_32 = arith.constant 0 : index
    %get3A_33 = vector.load %arg5[%get3A_31, %get3A_32] : memref<256x256xf32, #tpu.memory_space<vmem>>, vector<128x256xf32>
    %dot_general3A_34 = arith.constant dense<0.000000e+00> : vector<1000x256xf32>
    %dot_general3A_35 = tpu.matmul %mul3A_18, %get3A_33, %dot_general3A_34 {dimension_numbers = #tpu.dot_dimension_numbers<[1], [0], [0], [1], [0, 0, 1, 1], [], []>, transpose_lhs_hint = false} : vector<1000x128xf32>, vector<128x256xf32>, vector<1000x256xf32> -> vector<1000x256xf32>
    %add3A_36 = arith.addf %add3A, %dot_general3A_35 : vector<1000x256xf32>
    %get3A_37 = arith.constant 0 : index
    %get3A_38 = arith.constant 0 : index
    %get3A_39 = vector.load %arg6[%get3A_37, %get3A_38] : memref<1x256xf32, #tpu.memory_space<vmem>>, vector<1x256xf32>
    %add3A_40 = vector.broadcast %get3A_39 : vector<1x256xf32> to vector<1000x256xf32>
    %add3A_41 = arith.addf %add3A_36, %add3A_40 : vector<1000x256xf32>
    %max3A_42 = arith.constant 0.000000e+00 : f32
    %max3A_43 = vector.broadcast %max3A_42 : f32 to vector<1000x256xf32>
    %max3A_44 = arith.maximumf %add3A_41, %max3A_43 : vector<1000x256xf32>
    %swap3A = arith.constant 0 : index
    %swap3A_45 = arith.constant 0 : index
    %swap3A_46 = vector.load %arg7[%swap3A, %swap3A_45] : memref<1000x256xf32, #tpu.memory_space<vmem>>, vector<1000x256xf32>
    tpu.vector_store %arg7[%swap3A, %swap3A_45], %max3A_44 {strides = array<i32>} : memref<1000x256xf32, #tpu.memory_space<vmem>>, vector<1000x256xf32>,
    %slice3A = vector.extract_strided_slice %max3A_44 {offsets = [0, 0], sizes = [1000, 128], strides = [1, 1]} : vector<1000x256xf32> to vector<1000x128xf32>
    %swap3A_47 = arith.constant 0 : index
    %swap3A_48 = arith.constant 0 : index
    %swap3A_49 = arith.constant 0 : index
    %swap3A_50 = vector.load %arg8[%swap3A_47, %swap3A_48, %swap3A_49] : memref<2x1000x128xf32, #tpu.memory_space<vmem>>, vector<1x1000x128xf32>
    %swap3A_51 = vector.shape_cast %swap3A_50 : vector<1x1000x128xf32> to vector<1000x128xf32>
    %swap3A_52 = vector.shape_cast %slice3A : vector<1000x128xf32> to vector<1x1000x128xf32>
    tpu.vector_store %arg8[%swap3A_47, %swap3A_48, %swap3A_49], %swap3A_52 {strides = array<i32>} : memref<2x1000x128xf32, #tpu.memory_space<vmem>>, vector<1x1000x128xf32>,
    %slice3A_53 = vector.extract_strided_slice %max3A_44 {offsets = [0, 128], sizes = [1000, 128], strides = [1, 1]} : vector<1000x256xf32> to vector<1000x128xf32>
    %swap3A_54 = arith.constant 1 : index
    %swap3A_55 = arith.constant 0 : index
    %swap3A_56 = arith.constant 0 : index
    %swap3A_57 = vector.load %arg8[%swap3A_54, %swap3A_55, %swap3A_56] : memref<2x1000x128xf32, #tpu.memory_space<vmem>>, vector<1x1000x128xf32>
    %swap3A_58 = vector.shape_cast %swap3A_57 : vector<1x1000x128xf32> to vector<1000x128xf32>
    %swap3A_59 = vector.shape_cast %slice3A_53 : vector<1000x128xf32> to vector<1x1000x128xf32>
    tpu.vector_store %arg8[%swap3A_54, %swap3A_55, %swap3A_56], %swap3A_59 {strides = array<i32>} : memref<2x1000x128xf32, #tpu.memory_space<vmem>>, vector<1x1000x128xf32>,
    return
  }
  func.func @transform_0(%arg0: i32) -> (i32, i32) {
    %c0_i32 = arith.constant 0 : i32
    %c0_i32_0 = arith.constant 0 : i32
    return %arg0, %c0_i32 : i32, i32
  }
  func.func @transform_1(%arg0: i32) -> (i32, i32, i32) {
    %c0_i32 = arith.constant 0 : i32
    %c0_i32_0 = arith.constant 0 : i32
    %c0_i32_1 = arith.constant 0 : i32
    return %c0_i32, %arg0, %c0_i32_0 : i32, i32, i32
  }
  func.func @transform_2(%arg0: i32) -> (i32, i32) {
    %c0_i32 = arith.constant 0 : i32
    %c0_i32_0 = arith.constant 0 : i32
    return %arg0, %c0_i32 : i32, i32
  }
  func.func @transform_3(%arg0: i32) -> (i32, i32) {
    %c0_i32 = arith.constant 0 : i32
    %c0_i32_0 = arith.constant 0 : i32
    %c0_i32_1 = arith.constant 0 : i32
    return %c0_i32, %c0_i32_0 : i32, i32
  }
  func.func @transform_4(%arg0: i32) -> (i32, i32) {
    %c0_i32 = arith.constant 0 : i32
    %c0_i32_0 = arith.constant 0 : i32
    %c0_i32_1 = arith.constant 0 : i32
    return %c0_i32, %c0_i32_0 : i32, i32
  }
  func.func @transform_5(%arg0: i32) -> (i32, i32) {
    %c0_i32 = arith.constant 0 : i32
    %c0_i32_0 = arith.constant 0 : i32
    %c0_i32_1 = arith.constant 0 : i32
    return %c0_i32, %c0_i32_0 : i32, i32
  }
  func.func @transform_6(%arg0: i32) -> (i32, i32) {
    %c0_i32 = arith.constant 0 : i32
    %c0_i32_0 = arith.constant 0 : i32
    return %arg0, %c0_i32 : i32, i32
  }
  func.func @transform_7(%arg0: i32) -> (i32, i32, i32) {
    %c0_i32 = arith.constant 0 : i32
    %c0_i32_0 = arith.constant 0 : i32
    %c0_i32_1 = arith.constant 0 : i32
    return %c0_i32, %arg0, %c0_i32_0 : i32, i32, i32
  }
}

</mosaic_0001>

<sc_bundles>
// kernel: kernel.6.cloned.1.call-start
scs
__scs_entry_jumppad:
0x0: {  	(pc) =	sbr.rel $0x88, $3  }
0x1: {  	(tag) =	ssettag $0x0;
	lr =	simm.s32 $0x1  }
0x2: {  	[smem:$0x3F99] =	sst lr;
	_ =	strace $0xD0000000  }
0x3: {  	_ = 	snop  }
0x4: {  	_ = 	snop  }
0x5: {  	_ = 	snop  }
0x6: {  	_ = 	snop  }
0x7: {  	_ = 	snop  }
__scs_overlays_trampoline_lowered:
0x8: {  	[smem:$0x3FA8] =	sst s0  }
0x9: {  	[smem:$0x3FA9] =	sst s1  }
0xa: {  	[smem:$0x3FAA] =	sst s2  }
0xb: {  	[smem:$0x3FAB] =	sst s3  }
0xc: {  	[smem:$0x3FAC] =	sst s4  }
0xd: {  	[smem:$0x3FAD] =	sst s5  }
0xe: {  	[smem:$0x3FAE] =	sst s6  }
0xf: {  	[smem:$0x3FAF] =	sst s7  }
0x10: {  	[smem:$0x3FB0] =	sst s8  }
0x11: {  	[smem:$0x3FB1] =	sst s9;
	s0 =	simm.s32 @!p0 $0x0  }
0x12: {  	s1 =	sld [smem:$0x3F97];
	s0 =	simm.s32 @p0 $0x1  }
0x13: {  	[smem:$0x3FB2] =	sst s0;
	s0 =	simm.s32 @!p1 $0x0  }
0x14: {  	s2 =	sld [smem:$0x3F96];
	s0 =	simm.s32 @p1 $0x1  }
0x15: {  	[smem:$0x3FB3] =	sst s0;
	s0 =	simm.s32 @!p2 $0x0  }
0x16: {  	s3 =	sld [smem:$0x3FDB];
	s0 =	simm.s32 @p2 $0x1  }
0x17: {  	s4 =	simm.s32 $0x1BF5;
	[smem:$0x3FB5] =	sst s0  }
0x18: {  	s0 =	sld [smem:$0x3F98];
	_ =	swait.ge [sflag:s4], $0x0  }
0x19: {  	s7 =	sld [smem:$0x3F99]  }
0x1a: {  	s8 =	sadd.s32 $0xFFFFE003, lr  }
0x1b: {  	s9 =	sadd.s32 $0xFFFFFEF7, lr;
	s5 =	simm.s32 $0xFFFFFFFF;
	p2 =	slt.u32 s8, $0xFFFFF086  }
0x1c: {  	p1 =	slt.u32 s9, $0xF7A;
	s5 =	simm.s32 @!p2 $0x0  }
0x1d: {  	s5 =	simm.s32 @p1 $0x1;
	p0 =	seq.s32 s7, s2  }
0x1e: {  	s7 =	smul.u32 @!p0 $0xF7A, s2;
	p2 =	seq.s32 @!p0 s5, $0x0  }
0x1f: {  	s9 =	smul.u32 $0xF7A, s1;
	s8 =	simm.s32 @!p0 $0x1BF5;
	p2 =	por !p2, p0  }
0x20: {  	[sflag:s8] =	ssyncset.s32 @!p0 $0xFFFFF086;
	s6 =	sadd.s32 @!p0 s3, s7;
	s7 =	simm.s32 @!p0 $0x108  }
0x21: {  	s3 =	sadd.s32 s3, s9;
	s6 =	sadd.s32 @!p0 $0x88, s6;
	s7 =	simm.s32 @p2 $0x1082  }
0x22: {  	[simem:s7], [sflag:s8] =	dma.local @!p0 [hbm:s6], $0xF7A  }
0x23: {  	s9 =	sor.u32 $0xD0000000, s2;
	s6 =	simm.s32 $0x108;
	_ =	swait.ge @!p0 [sflag:s8], $0x0  }
0x24: {  	s3 =	sadd.s32 $0x88, s3;
	s6 =	simm.s32 @!p1 $0x1082;
	[sflag:s4] =	ssyncset.s32 $0xFFFFF086  }
0x25: {  	[simem:s6], [sflag:s4] =	dma.local [hbm:s3], $0xF7A  }
0x26: {  	[smem:$0x3F99] =	sst s1;
	(tag) =	ssettag s2;
	_ =	strace s9  }
0x27: {  	s1 =	sld [smem:$0x3FA9]  }
0x28: {  	s2 =	sld [smem:$0x3FAA]  }
0x29: {  	s4 =	sld [smem:$0x3FAC]  }
0x2a: {  	p0 =	seq.s32 s5, $0x0;
	s5 =	sld [smem:$0x3FAD]  }
0x2b: {  	s6 =	sld [smem:$0x3FAE]  }
0x2c: {  	s7 =	sld [smem:$0x3FAF]  }
0x2d: {  	s3 =	simm.s32 $0x108;
	s8 =	sld [smem:$0x3FB0]  }
0x2e: {  	s3 =	simm.s32 @!p0 $0x1082;
	s9 =	sld [smem:$0x3FB1]  }
0x2f: {  	lr =	sadd.s32 s0, s3;
	s0 =	sld [smem:$0x3FA8]  }
0x30: {  	s3 =	sld [smem:$0x3FAB]  }
0x31: {  	[smem:$0x3FB4] =	sst s10  }
0x32: {  	s10 =	sld [smem:$0x3FB2];
	_ =	sdelay $0x3  }
0x33: {  	p0 =	seq.s32 s10, $0x1;
	s10 =	sld [smem:$0x3FB4];
	_ =	sdelay $0x3  }
0x34: {  	[smem:$0x3FB4] =	sst s10  }
0x35: {  	s10 =	sld [smem:$0x3FB3];
	_ =	sdelay $0x3  }
0x36: {  	p1 =	seq.s32 s10, $0x1;
	s10 =	sld [smem:$0x3FB4];
	_ =	sdelay $0x3  }
0x37: {  	[smem:$0x3FB4] =	sst s10  }
0x38: {  	s10 =	sld [smem:$0x3FB5]  }
0x39: {  	_ = 	snop;
	(pc) =	sbr.ind lr, $3  }
0x3a: {  	_ = 	snop  }
0x3b: {  	_ = 	snop  }
0x3c: {  	p2 =	seq.s32 s10, $0x1;
	s10 =	sld [smem:$0x3FB4]  }
0x3d: {  	_ =	shalt  }
0x3e: {  	_ =	shalt  }
0x3f: {  	_ =	shalt  }
0x40: {  	_ =	shalt  }
0x41: {  	_ =	shalt  }
0x42: {  	_ =	shalt  }
0x43: {  	_ =	shalt  }
0x44: {  	_ =	shalt  }
0x45: {  	_ =	shalt  }
0x46: {  	_ =	shalt  }
0x47: {  	_ =	shalt  }
0x48: {  	_ =	shalt  }
0x49: {  	_ =	shalt  }
0x4a: {  	_ =	shalt  }
0x4b: {  	_ =	shalt  }
0x4c: {  	_ =	shalt  }
0x4d: {  	_ =	shalt  }
0x4e: {  	_ =	shalt  }
0x4f: {  	_ =	shalt  }
0x50: {  	_ =	shalt  }
0x51: {  	_ =	shalt  }
0x52: {  	_ =	shalt  }
0x53: {  	_ =	shalt  }
0x54: {  	_ =	shalt  }
0x55: {  	_ =	shalt  }
0x56: {  	_ =	shalt  }
0x57: {  	_ =	shalt  }
0x58: {  	_ =	shalt  }
0x59: {  	_ =	shalt  }
0x5a: {  	_ =	shalt  }
0x5b: {  	_ =	shalt  }
0x5c: {  	_ =	shalt  }
0x5d: {  	_ =	shalt  }
0x5e: {  	_ =	shalt  }
0x5f: {  	_ =	shalt  }
0x60: {  	_ =	shalt  }
0x61: {  	_ =	shalt  }
0x62: {  	_ =	shalt  }
0x63: {  	_ =	shalt  }
0x64: {  	_ =	shalt  }
0x65: {  	_ =	shalt  }
0x66: {  	_ =	shalt  }
0x67: {  	_ =	shalt  }
0x68: {  	_ =	shalt  }
0x69: {  	_ =	shalt  }
0x6a: {  	_ =	shalt  }
0x6b: {  	_ =	shalt  }
0x6c: {  	_ =	shalt  }
0x6d: {  	_ =	shalt  }
0x6e: {  	_ =	shalt  }
0x6f: {  	_ =	shalt  }
0x70: {  	_ =	shalt  }
0x71: {  	_ =	shalt  }
0x72: {  	_ =	shalt  }
0x73: {  	_ =	shalt  }
0x74: {  	_ =	shalt  }
0x75: {  	_ =	shalt  }
0x76: {  	_ =	shalt  }
0x77: {  	_ =	shalt  }
0x78: {  	_ =	shalt  }
0x79: {  	_ =	shalt  }
0x7a: {  	_ =	shalt  }
0x7b: {  	_ =	shalt  }
0x7c: {  	_ =	shalt  }
0x7d: {  	_ =	shalt  }
0x7e: {  	_ =	shalt  }
0x7f: {  	_ =	shalt  }
0x80: {  	_ =	shalt  }
0x81: {  	_ =	shalt  }
0x82: {  	_ =	shalt  }
0x83: {  	_ =	shalt  }
0x84: {  	_ =	shalt  }
0x85: {  	_ =	shalt  }
0x86: {  	_ =	shalt  }
0x87: {  	_ =	shalt  }
.Lfunc_end0:
.L_simem_size_0:
called_computation_lowered:
.L_overlay_start_0:
0x88: {  	s2 =	sld [smem:$0x3FD9]  }
0x89: {  	s3 =	sld [smem:$0x3FFE];
	_ =	sdelay $0x1  }
0x8a: {  	s1 =	srdreg.scid  }
0x8b: {  	s0 =	sand.u32 $0x1, s1  }
0x8c: {  	s17 =	sshll.u32 s0, $0xA;
	s2 =	sadd.s32 s3, s2  }
0x8d: {  	s2 =	sadd.s32 s2, s17  }
0x8e: {  	[smem:$0x3FC0] =	sst s2  }
0x8f: {  	_ = 	snop  }
0x90: {  	s2 =	sld [smem:$0x3FD0];
	(tm) =	ssettm $0x1  }
0x91: {  	s18 =	sld [smem:$0x3FFB];
	_ =	sdelay $0x3  }
0x92: {  	_ =	strace s18  }
0x93: {  	s3 =	sld [smem:$0x3FFC];
	_ =	sdelay $0x3  }
0x94: {  	_ =	strace s3  }
0x95: {  	s3 =	sld [smem:$0x3FFD];
	_ =	sdelay $0x3  }
0x96: {  	_ =	strace s3  }
0x97: {  	_ =	strace $0x8FFFFFFF  }
0x98: {  	s19 =	sld [smem:$0x3FDB];
	_ =	sdelay $0x1  }
0x99: {  	s4 =	simm.s32 $_scs_section_size  }
0x9a: {  	s5 =	simm.s32 $_size__tile_overlayer_lowered;
	s6 =	simm.s32 $_tile_overlayer_lowered  }
0x9b: {  	s22 =	simm.s32 $0x1BFF;
	s21 =	sshll.u32 s6, $0x1;
	s3 =	sadd.s32 s4, s19  }
0x9c: {  	s7 =	simm.s32 $0x0;
	s20 =	sshll.u32 s5, $0x1;
	s5 =	sadd.s32 s21, s3  }
0x9d: {  	[timem:s7], [sflag:s22] =	dma.local [hbm:s5], s20  }
0x9e: {  	_ =	swait.ge [sflag:s22], s20  }
0x9f: {  	s4 =	ssub.s32 $0x0, s20;
	[sflag:s22] =	ssyncset.done $0x0  }
0xa0: {  	[sflag:s22] =	ssyncadd.s32 s4;
	_ =	sdelay $0x1  }
0xa1: {  	s23 =	simm.s32 $0x1B8B  }
0xa2: {  	_ =	swait.ge [sflag:s23], $0x1  }
0xa3: {  	[sflag:s23] =	ssyncset.done $0x0  }
0xa4: {  	s25 =	simm.s32 $0x1B8E;
	s24 =	sld [smem:$0x3FFE];
	[sflag:s23] =	ssyncadd.s32 $0xFFFFFFFF  }
0xa5: {  	s26 =	simm.s32 $execute0_lowered;
	[smem:$0x3FD2] =	sst s25  }
0xa6: {  	s5 =	sshll.u32 s26, $0x1;
	_ =	strace $0x80000046;
	[dreg:$0x1] =	wrdreg $0xFFFFFFFF  }
0xa7: {  	s28 =	simm.s32 $_size_execute0_lowered;
	s3 =	sadd.s32 s3, s5;
	[dreg:$0x0] =	wrdreg $0x0  }
0xa8: {  	s5 =	sshll.u32 s28, $0x1;
	[dreg:$0x2] =	wrdreg s3  }
0xa9: {  	[dreg:$0x3] =	wrdreg s5  }
0xaa: {  	[dreg:$0x4] =	wrdreg $0xC0  }
0xab: {  	_ =	task [dreg:s7], $0x5FFFF  }
0xac: {  	[dreg:$0x1] =	wrdreg $0xFFFFFFFF  }
0xad: {  	[dreg:$0x0] =	wrdreg $0x60  }
0xae: {  	[dreg:$0x2] =	wrdreg s2  }
0xaf: {  	[dreg:$0x3] =	wrdreg s24  }
0xb0: {  	[dreg:$0x4] =	wrdreg $0x90000  }
0xb1: {  	[dreg:$0x5] =	wrdreg $0x9  }
0xb2: {  	_ =	task.clear_ibuf [dreg:s7], $0x6FFFF;
	_ =	strace $0x90000046  }
0xb3: {  	s29 =	simm.s32 $0x9;
	_ =	strace $0x80000048  }
0xb4: {  	_ =	swait.ge [sflag:s29], $0x1  }
0xb5: {  	[sflag:s29] =	ssyncadd.s32 $0xFFFFFFFF  }
0xb6: {  	_ =	strace $0x90000048  }
0xb7: {  	_ =	sfence  }
0xb8: {  	s30 =	sld [smem:$0x0];
	_ =	sdelay $0x2  }
0xb9: {  	s31 =	sshll.u32 s1, $0xD;
	s1 =	sshrl.u32 s1, $0x2  }
0xba: {  	s3 =	sand.u32 $0x4000, s31;
	s1 =	sadd.s32 s1, s30  }
0xbb: {  	s0 =	sor.u32 s3, s0;
	s1 =	sshll.u32 s1, $0x11  }
0xbc: {  	s0 =	sor.u32 s1, s0  }
0xbd: {  	s0 =	sadd.s32 $0x8F2B, s0  }
0xbe: {  	[sflag:s0] =	ssyncadd.remote.s32 $0x1  }
0xbf: {  	_ =	sfence.sel $0xFFFF  }
0xc0: {  	[dreg:$0x0] =	wrdreg $0xFFFFFFFF;
	(pc) =	sbr.abs _section_cstart, $3  }
0xc1: {  	[dreg:$0x1] =	wrdreg $0xFFFFFFFF  }
0xc2: {  	_ =	task.clear_ibuf [dreg:s7], $0x2FFFF;
	_ =	strace $0x9FFFFFFF  }
0xc3: {  	(tm) =	ssettm $0x7FFFFFFF  }
tec
execute0_lowered:
.L_overlay_start_1:
0x0: {  	(tag) =	ssettag $0x1  }
0x1: {  	s1 =	rddreg [dreg:$0x0]  }
0x2: {  	s2 =	srdreg.scid;
	s5 =	rddreg [dreg:$0x1]  }
0x3: {  	s0 =	stileid.u32;
	s3 =	rddreg [dreg:$0x2];
	s4 =	simm.s32 $0x0  }
0x4: {  	s17 =	simm.s32 $0x2;
	s18 =	simm.s32 $0x2800;
	s19 =	simm.s32 $0x5000  }
0x5: {  	s20 =	simm.s32 $0x80;
	s21 =	simm.s32 $0x1;
	s6 =	smul.u32 $0x2800, s0  }
0x6: {  	s23 =	simm.s32 $0x1F800;
	s24 =	simm.s32 $0x1FC00;
	s9 =	smul.u32 $0x14000, s0  }
0x7: {  	s22 =	sand.u32 $0x1, s2;
	s2 =	rddreg [dreg:$0x3];
	s29 =	smul.u32 $0x50000, s0  }
0x8: {  	s25 =	simm.s32 $0x0;
	[smem:$0x7FF] =	sst s4;
	s13 =	smul.u32 $0xA000, s0  }
0x9: {  	s30 =	sshll.u32 s0, $0x7;
	s14 =	sshll.u32 s0, $0xA;
	s7 =	smul.u32 $0x28000, s22  }
0xa: {  	p2 =	sgt.u32 s0, $0x9;
	s8 =	smul.u32 $0x140000, s22;
	_ =	strace $0x80000047  }
0xb: {  	s28 =	ssub.s32 $0x2, s22;
	s15 =	sadd.s32 s30, s5;
	s14 =	sadd.s32 s14, s3  }
0xc: {  	p0 =	sne.s32 s22, $0x0;
	p1 =	seq.s32 s22, $0x0;
	s22 =	simm.s32 $0x1D000  }
0xd: {  	s11 =	sshrl.u32 s28, $0x1;
	s31 =	sshrl.u32 s29, $0x2;
	s13 =	sshrl.u32 s13, $0x2  }
0xe: {  	s15 =	sadd.s32 $0x60A00, s15;
	s7 =	sadd.s32 s6, s7;
	s6 =	sshrl.u32 s6, $0x3  }
0xf: {  	s26 =	sadd.s32 s9, s8;
	s16 =	ssub.s32 s28, s11;
	s13 =	sadd.s32 s13, s3  }
.Ltmp0:
0x10: {  	s7 =	sshrl.u32 s7, $0x3;
	s10 =	sadd.s32 s6, s5;
	(pc) =	sbr.rel .LBB2_1-.Ltmp0, $4  }
0x11: {  	s6 =	sshrl.u32 s26, $0x3;
	s16 =	smax.u32 s16, $0x1;
	s7 =	sadd.s32 s7, s5  }
0x12: {  	s12 =	sadd.s32 s6, s5;
	s6 =	sadd.s32 s31, s3;
	s5 =	sadd.s32 $0x6A00, s7  }
0x13: {  	s7 =	sadd.s32 $0x1A00, s10;
	s8 =	sadd.s32 $0x4000, s6;
	s9 =	sadd.s32 $0x8000, s6  }
0x14: {  	v0 =	vimm.f32 $0.0e+00;
	s10 =	sadd.s32 $0xC000, s6;
	s11 =	sadd.s32 $0x10000, s6;
	s12 =	sadd.s32 $0x10A00, s12  }
.LBB2_8:
0x15: {  	[bflag:$0x0] =	sbarrier.arrive $0xFFFF  }
.LBB2_17:
0x16: {  	s25 =	sadd.s32 $0x1, s25  }
0x17: {  	p3 =	sne.s32 s25, s16  }
.Ltmp1:
0x18: {  	_ = 	snop;
	(pc) =	sbr.rel @!p3 .LBB2_18-.Ltmp1, $1  }
0x19: {  	_ =	sdelay $0x3  }
.LBB2_1:
0x1a: {  	[tilespmem:s4], [sflag:$0x2] =	stream.linear.gather [hbm4b:s5+s4], $0x2780, $0x38;
	v63 =	vld [tilespmem:$0x0]  }
0x1b: {  	_ =	swait.ge [sflag:s17], $0x2780  }
0x1c: {  	[sflag:s17] =	ssyncset.done $0x0  }
0x1d: {  	[sflag:s17] =	ssyncadd.s32 $0xFFFFD880  }
0x1e: {  	[tilespmem:s18], [sflag:$0x2] =	stream.linear.gather [hbm4b:s7+s4], $0x2780, $0x38;
	v63 =	vld [tilespmem:$0x0]  }
0x1f: {  	_ =	swait.ge [sflag:s17], $0x2780  }
0x20: {  	[sflag:s17] =	ssyncset.done $0x0  }
0x21: {  	s26 =	simm.s32 $0x0;
	s28 =	simm.s32 $0x200;
	[sflag:s17] =	ssyncadd.s32 $0xFFFFD880  }
.LBB2_2:
0x22: {  	p3 =	sne.s32 s28, $0xFE00;
	[tilespmem:s26+$0x5070] =	vst v0  }
0x23: {  	[tilespmem:s26+$0x5000] =	vst v0  }
0x24: {  	[tilespmem:s26+$0x5010] =	vst v0  }
.Ltmp2:
0x25: {  	[tilespmem:s26+$0x5020] =	vst v0;
	(pc) =	sbr.rel @p3 .LBB2_2-.Ltmp2, $4  }
0x26: {  	[tilespmem:s26+$0x5030] =	vst v0  }
0x27: {  	[tilespmem:s26+$0x5040] =	vst v0  }
0x28: {  	[tilespmem:s26+$0x5050] =	vst v0  }
0x29: {  	[tilespmem:s26+$0x5060] =	vst v0;
	s26 =	sshra.s32 s28, $0x2;
	s28 =	sadd.s32 $0x200, s28  }
0x2a: {  	[tilespmem:s26+$0x5070] =	vst v0  }
0x2b: {  	[tilespmem:s26+$0x5000] =	vst v0  }
0x2c: {  	[tilespmem:s26+$0x5010] =	vst v0  }
0x2d: {  	[tilespmem:s26+$0x5020] =	vst v0  }
0x2e: {  	[tilespmem:s26+$0x5030] =	vst v0  }
0x2f: {  	[tilespmem:s26+$0x5040] =	vst v0  }
0x30: {  	[tilespmem:s26+$0x5050] =	vst v0  }
0x31: {  	[tilespmem:s26+$0x5060] =	vst v0  }
0x32: {  	[spmem:s6] =	stream.linear.scatter [tilespmem:s19], [sflag:$0x2], $0x4000, $0x38;
	v63 =	vld [tilespmem:$0x0]  }
0x33: {  	_ =	swait.ge [sflag:s17], $0x4000  }
0x34: {  	[sflag:s17] =	ssyncset.done $0x0  }
0x35: {  	[sflag:s17] =	ssyncadd.s32 $0xFFFFC000  }
0x36: {  	[spmem:s8] =	stream.linear.scatter [tilespmem:s19], [sflag:$0x2], $0x4000, $0x38;
	v63 =	vld [tilespmem:$0x0]  }
0x37: {  	_ =	swait.ge [sflag:s17], $0x4000  }
0x38: {  	[sflag:s17] =	ssyncset.done $0x0  }
0x39: {  	[sflag:s17] =	ssyncadd.s32 $0xFFFFC000  }
0x3a: {  	[spmem:s9] =	stream.linear.scatter [tilespmem:s19], [sflag:$0x2], $0x4000, $0x38;
	v63 =	vld [tilespmem:$0x0]  }
0x3b: {  	_ =	swait.ge [sflag:s17], $0x4000  }
0x3c: {  	[sflag:s17] =	ssyncset.done $0x0  }
0x3d: {  	[sflag:s17] =	ssyncadd.s32 $0xFFFFC000  }
0x3e: {  	[spmem:s10] =	stream.linear.scatter [tilespmem:s19], [sflag:$0x2], $0x4000, $0x38;
	v63 =	vld [tilespmem:$0x0]  }
0x3f: {  	_ =	swait.ge [sflag:s17], $0x4000  }
0x40: {  	[sflag:s17] =	ssyncset.done $0x0  }
0x41: {  	[sflag:s17] =	ssyncadd.s32 $0xFFFFC000  }
0x42: {  	[spmem:s11] =	stream.linear.scatter [tilespmem:s19], [sflag:$0x2], $0x4000, $0x38;
	v63 =	vld [tilespmem:$0x0]  }
0x43: {  	_ =	swait.ge [sflag:s17], $0x4000  }
0x44: {  	[sflag:s17] =	ssyncset.done $0x0  }
0x45: {  	s26 =	simm.s32 $0x0;
	s28 =	simm.s32 $0x200;
	[sflag:s17] =	ssyncadd.s32 $0xFFFFC000  }
.LBB2_4:
0x46: {  	p3 =	sne.s32 s28, $0x9E00;
	[tilespmem:s26+$0x1D070] =	vst v0  }
0x47: {  	[tilespmem:s26+$0x1D000] =	vst v0  }
0x48: {  	[tilespmem:s26+$0x1D010] =	vst v0  }
.Ltmp3:
0x49: {  	[tilespmem:s26+$0x1D020] =	vst v0;
	(pc) =	sbr.rel @p3 .LBB2_4-.Ltmp3, $4  }
0x4a: {  	[tilespmem:s26+$0x1D030] =	vst v0  }
0x4b: {  	[tilespmem:s26+$0x1D040] =	vst v0  }
0x4c: {  	[tilespmem:s26+$0x1D050] =	vst v0  }
0x4d: {  	[tilespmem:s26+$0x1D060] =	vst v0;
	s26 =	sshra.s32 s28, $0x2;
	s28 =	sadd.s32 $0x200, s28  }
0x4e: {  	[tilespmem:s26+$0x1D070] =	vst v0  }
0x4f: {  	[tilespmem:s26+$0x1D000] =	vst v0  }
0x50: {  	[tilespmem:s26+$0x1D010] =	vst v0  }
0x51: {  	[tilespmem:s26+$0x1D020] =	vst v0  }
0x52: {  	[tilespmem:s26+$0x1D030] =	vst v0  }
0x53: {  	[tilespmem:s26+$0x1D040] =	vst v0  }
0x54: {  	[tilespmem:s26+$0x1D050] =	vst v0  }
0x55: {  	[tilespmem:s26+$0x1D060] =	vst v0  }
0x56: {  	s26 =	simm.s32 $0x0;
	[bflag:$0x0] =	sbarrier.arrive $0xFFFF  }
.LBB2_6:
0x57: {  	s28 =	sshra.s32 s26, $0x2  }
0x58: {  	[tilespmem:s19], [sflag:$0x1] =	stream.indirect.gather [hbm4b:s1+s20], $0x80, s28, s20, $0xb8;
	v63 =	vld [tilespmem:$0x0]  }
0x59: {  	_ =	swait.ge [sflag:s21], $0x4000  }
0x5a: {  	[sflag:s21] =	ssyncset.done $0x0  }
0x5b: {  	s28 =	sadd.s32 $0x2800, s28;
	[sflag:s21] =	ssyncadd.s32 $0xFFFFC000  }
0x5c: {  	[spmem:s3] =	stream.indirect.scatter.add.f32 [tilespmem:s19], [sflag:$0x2], $0x80, s28, s20, $0xb8;
	v63 =	vld [tilespmem:$0x0]  }
0x5d: {  	_ =	swait.ge [sflag:s17], $0x4000  }
0x5e: {  	[sflag:s17] =	ssyncset.done $0x0  }
0x5f: {  	s28 =	sshra.s32 @!p0 s26, $0x2;
	[sflag:s17] =	ssyncadd.s32 $0xFFFFC000  }
0x60: {  	v1 =	vld @!p0 [tilespmem:s28+$0x2800];
	_ =	sdelay $0x6  }
0x61: {  	v2 =	vimm.f32 @!p0 $1.000000000e+00;
	s29 =	simm.s32 @!p0 $0x1D000  }
0x62: {  	[tilespmem:v1+s29+$0x0] =	vst.idx.add.f32.msk @!p0 $0xffff, v2  }
0x63: {  	v1 =	vld @!p0 [tilespmem:s28+$0x2810];
	_ =	sdelay $0x7  }
0x64: {  	[tilespmem:v1+s29+$0x0] =	vst.idx.add.f32.msk @!p0 $0xffff, v2  }
0x65: {  	v1 =	vld @!p0 [tilespmem:s28+$0x2820];
	_ =	sdelay $0x7  }
0x66: {  	[tilespmem:v1+s29+$0x0] =	vst.idx.add.f32.msk @!p0 $0xffff, v2  }
0x67: {  	v1 =	vld @!p0 [tilespmem:s28+$0x2830];
	_ =	sdelay $0x7  }
0x68: {  	[tilespmem:v1+s29+$0x0] =	vst.idx.add.f32.msk @!p0 $0xffff, v2  }
0x69: {  	v1 =	vld @!p0 [tilespmem:s28+$0x2840];
	_ =	sdelay $0x7  }
0x6a: {  	[tilespmem:v1+s29+$0x0] =	vst.idx.add.f32.msk @!p0 $0xffff, v2  }
0x6b: {  	v1 =	vld @!p0 [tilespmem:s28+$0x2850];
	_ =	sdelay $0x7  }
0x6c: {  	[tilespmem:v1+s29+$0x0] =	vst.idx.add.f32.msk @!p0 $0xffff, v2  }
0x6d: {  	v1 =	vld @!p0 [tilespmem:s28+$0x2860];
	_ =	sdelay $0x7  }
0x6e: {  	[tilespmem:v1+s29+$0x0] =	vst.idx.add.f32.msk @!p0 $0xffff, v2  }
0x6f: {  	v1 =	vld @!p0 [tilespmem:s28+$0x2870];
	_ =	sdelay $0x1  }
0x70: {  	s26 =	sadd.s32 $0x200, s26  }
0x71: {  	p3 =	sne.s32 s26, $0x9E00  }
.Ltmp4:
0x72: {  	_ = 	snop;
	(pc) =	sbr.rel @p3 .LBB2_6-.Ltmp4, $2  }
0x73: {  	_ =	sdelay $0x2  }
0x74: {  	[tilespmem:v1+s29+$0x0] =	vst.idx.add.f32.msk @!p0 $0xffff, v2  }
0x75: {  	s26 =	sshll.u32 s0, $0x6  }
0x76: {  	[bflag:$0x0] =	sbarrier.arrive $0xFFFF;
	s28 =	sshrl.u32 s6, $0x3;
	s26 =	sor.u32 $0x1C02, s26  }
0x77: {  	[hbm:s12], [sflag:s26] =	dma.local [spmem:s28], $0x2800  }
.Ltmp5:
0x78: {  	_ =	swait.ge [sflag:s17], $0x2800;
	(pc) =	sbr.rel @!p1 .LBB2_8-.Ltmp5, $3  }
0x79: {  	[sflag:s17] =	ssyncset.done $0x0  }
0x7a: {  	[sflag:s17] =	ssyncadd.s32 $0xFFFFD800  }
0x7b: {  	[bflag:$0x0] =	sbarrier.arrive $0xFFFF;
	_ =	sdelay $0x1  }
0x7c: {  	[spmem:s13] =	stream.linear.scatter [tilespmem:s22], [sflag:$0x2], $0x2800, $0x38;
	v63 =	vld [tilespmem:$0x0]  }
.Ltmp6:
0x7d: {  	_ =	swait.ge [sflag:s17], $0x2800;
	(pc) =	sbr.rel @p2 .LBB2_17-.Ltmp6, $4  }
0x7e: {  	[sflag:s17] =	ssyncset.done $0x0  }
0x7f: {  	[sflag:s17] =	ssyncadd.s32 $0xFFFFD800  }
0x80: {  	[bflag:$0x0] =	sbarrier.arrive $0xFFFF  }
0x81: {  	s26 =	simm.s32 $0x0  }
0x82: {  	s28 =	sand.u32 $0xE00, s26  }
0x83: {  	s29 =	sand.u32 $0x70, s26;
	s30 =	sshrl.u32 s28, $0x2  }
0x84: {  	s28 =	simm.s32 $0x40;
	s30 =	sor.u32 s29, s30;
	s29 =	simm.s32 $0x0  }
.LBB2_11:
0x85: {  	p3 =	sne.s32 s28, $0xFC0  }
0x86: {  	[tilespmem:s30+$0x1FC00] =	vst v0;
	s29 =	sadd.s32 $0x10, s29;
	s30 =	smov.u32 s28;
	s28 =	sadd.s32 $0x40, s28  }
.Ltmp7:
0x87: {  	(pc) =	sbr.rel @p3 .LBB2_11-.Ltmp7, $4  }
0x88: {  	_ = 	snop  }
0x89: {  	s30 =	sand.u32 $0xE00, s30  }
0x8a: {  	s31 =	sand.u32 $0x70, s29;
	s30 =	sshrl.u32 s30, $0x2  }
0x8b: {  	s30 =	sor.u32 s31, s30  }
0x8c: {  	[tilespmem:s30+$0x1FC00] =	vst v0  }
.LBB2_13:
0x8d: {  	s28 =	smul.u32 $0xA000, s26;
	_ =	sdelay $0x1  }
0x8e: {  	s28 =	sshra.s32 s28, $0x2  }
0x8f: {  	s28 =	sadd.s32 s28, s14  }
0x90: {  	[tilespmem:s23], [sflag:$0x2] =	stream.linear.gather [spmem:s28], $0x400, $0x38;
	v63 =	vld [tilespmem:$0x0]  }
0x91: {  	_ =	swait.ge [sflag:s17], $0x400  }
0x92: {  	[sflag:s17] =	ssyncset.done $0x0  }
0x93: {  	s28 =	simm.s32 $0x0;
	[sflag:s17] =	ssyncadd.s32 $0xFFFFFC00  }
0x94: {  	s29 =	simm.s32 $0x40;
	v1 =	vld [tilespmem:s28+$0x1F800]  }
.LBB2_14:
0x95: {  	p3 =	sne.s32 s29, $0xFC0;
	v2 =	vld [tilespmem:s28+$0x1FC00];
	_ =	sdelay $0x2  }
.Ltmp8:
0x96: {  	(pc) =	sbr.rel @p3 .LBB2_14-.Ltmp8, $4  }
0x97: {  	_ = 	snop  }
0x98: {  	v2 =	vadd.f32 v1, v2  }
0x99: {  	s30 =	sshra.s32 s29, $0x2  }
0x9a: {  	s29 =	sadd.s32 $0x40, s29;
	v1 =	vld [tilespmem:s30+$0x1F800];
	[tilespmem:s28+$0x1FC00] =	vst v2;
	s28 =	smov.u32 s30  }
0x9b: {  	v2 =	vld [tilespmem:s28+$0x1FC00]  }
0x9c: {  	s26 =	sadd.s32 $0x1, s26  }
0x9d: {  	p3 =	sne.s32 s26, $0x10  }
.Ltmp9:
0x9e: {  	_ = 	snop;
	(pc) =	sbr.rel @p3 .LBB2_13-.Ltmp9, $3  }
0x9f: {  	_ = 	snop  }
0xa0: {  	v1 =	vadd.f32 v1, v2;
	_ =	sdelay $0x1  }
0xa1: {  	[tilespmem:s28+$0x1FC00] =	vst v1  }
.Ltmp10:
0xa2: {  	(pc) =	sbr.rel .LBB2_17-.Ltmp10, $4  }
0xa3: {  	[hbm4b:s15+s4] =	stream.linear.scatter [tilespmem:s24], [sflag:$0x2], $0x400, $0x38;
	v63 =	vld [tilespmem:$0x0]  }
0xa4: {  	_ =	swait.ge [sflag:s17], $0x400  }
0xa5: {  	[sflag:s17] =	ssyncset.done $0x0  }
0xa6: {  	[sflag:s17] =	ssyncadd.s32 $0xFFFFFC00  }
.LBB2_18:
0xa7: {  	_ =	sfence.sel $0x180000  }
0xa8: {  	[bflag:$0x0] =	sbarrier.arrive $0xFFFF  }
0xa9: {  	p0 =	sne.s32 s0, $0x0;
	_ =	strace $0x90000047  }
0xaa: {  	s0 =	sadd.s32 @!p0 $0x100000, s2;
	[bflag:$0x2] =	sbarrier.arrive $0xFFFF  }
0xab: {  	[sflag:s0] =	ssyncadd.tile.s32 @!p0 $0x1;
	_ =	shalt  }
.Lfunc_end2:
_tile_overlayer_lowered:
.L_overlay_start_2:
0xac: {  	(tag) =	ssettag $0x2  }
0xad: {  	s0 =	rddreg [dreg:$0x0];
	s2 =	stileid.u32  }
0xae: {  	s1 =	rddreg [dreg:$0x1];
	p0 =	sne.s32 s2, $0x0  }
0xaf: {  	s3 =	rddreg [dreg:$0x2];
	[bflag:$0x3] =	sbarrier.arrive $0xFFFF;
	s2 =	simm.s32 @!p0 $0x1C02  }
0xb0: {  	[timem:s3], [sflag:s2] =	dma.local @!p0 [hbm:s0], s1  }
0xb1: {  	s0 =	simm.s32 @!p0 $0x2  }
0xb2: {  	_ =	swait.ge @!p0 [sflag:s0], s1  }
0xb3: {  	s1 =	ssub.s32 @!p0 $0x0, s1;
	[sflag:s0] =	ssyncset.done @!p0 $0x0  }
0xb4: {  	[sflag:s0] =	ssyncadd.s32 @!p0 s1  }
0xb5: {  	[bflag:$0x3] =	sbarrier.arrive $0xFFFF  }
0xb6: {  	_ =	shalt  }

// kernel: kernel.9.cloned.1.call-start
scs
__scs_entry_jumppad:
0x0: {  	(pc) =	sbr.rel $0x88, $3  }
0x1: {  	(tag) =	ssettag $0x0;
	lr =	simm.s32 $0x1  }
0x2: {  	[smem:$0x3F99] =	sst lr;
	_ =	strace $0xD0000000  }
0x3: {  	_ = 	snop  }
0x4: {  	_ = 	snop  }
0x5: {  	_ = 	snop  }
0x6: {  	_ = 	snop  }
0x7: {  	_ = 	snop  }
__scs_overlays_trampoline_lowered:
0x8: {  	[smem:$0x3FA8] =	sst s0  }
0x9: {  	[smem:$0x3FA9] =	sst s1  }
0xa: {  	[smem:$0x3FAA] =	sst s2  }
0xb: {  	[smem:$0x3FAB] =	sst s3  }
0xc: {  	[smem:$0x3FAC] =	sst s4  }
0xd: {  	[smem:$0x3FAD] =	sst s5  }
0xe: {  	[smem:$0x3FAE] =	sst s6  }
0xf: {  	[smem:$0x3FAF] =	sst s7  }
0x10: {  	[smem:$0x3FB0] =	sst s8  }
0x11: {  	[smem:$0x3FB1] =	sst s9;
	s0 =	simm.s32 @!p0 $0x0  }
0x12: {  	s1 =	sld [smem:$0x3F97];
	s0 =	simm.s32 @p0 $0x1  }
0x13: {  	[smem:$0x3FB2] =	sst s0;
	s0 =	simm.s32 @!p1 $0x0  }
0x14: {  	s2 =	sld [smem:$0x3F96];
	s0 =	simm.s32 @p1 $0x1  }
0x15: {  	[smem:$0x3FB3] =	sst s0;
	s0 =	simm.s32 @!p2 $0x0  }
0x16: {  	s3 =	sld [smem:$0x3FDB];
	s0 =	simm.s32 @p2 $0x1  }
0x17: {  	s4 =	simm.s32 $0x1BF5;
	[smem:$0x3FB5] =	sst s0  }
0x18: {  	s0 =	sld [smem:$0x3F98];
	_ =	swait.ge [sflag:s4], $0x0  }
0x19: {  	s7 =	sld [smem:$0x3F99]  }
0x1a: {  	s8 =	sadd.s32 $0xFFFFE003, lr  }
0x1b: {  	s9 =	sadd.s32 $0xFFFFFEF7, lr;
	s5 =	simm.s32 $0xFFFFFFFF;
	p2 =	slt.u32 s8, $0xFFFFF086  }
0x1c: {  	p1 =	slt.u32 s9, $0xF7A;
	s5 =	simm.s32 @!p2 $0x0  }
0x1d: {  	s5 =	simm.s32 @p1 $0x1;
	p0 =	seq.s32 s7, s2  }
0x1e: {  	s7 =	smul.u32 @!p0 $0xF7A, s2;
	p2 =	seq.s32 @!p0 s5, $0x0  }
0x1f: {  	s9 =	smul.u32 $0xF7A, s1;
	s8 =	simm.s32 @!p0 $0x1BF5;
	p2 =	por !p2, p0  }
0x20: {  	[sflag:s8] =	ssyncset.s32 @!p0 $0xFFFFF086;
	s6 =	sadd.s32 @!p0 s3, s7;
	s7 =	simm.s32 @!p0 $0x108  }
0x21: {  	s3 =	sadd.s32 s3, s9;
	s6 =	sadd.s32 @!p0 $0x88, s6;
	s7 =	simm.s32 @p2 $0x1082  }
0x22: {  	[simem:s7], [sflag:s8] =	dma.local @!p0 [hbm:s6], $0xF7A  }
0x23: {  	s9 =	sor.u32 $0xD0000000, s2;
	s6 =	simm.s32 $0x108;
	_ =	swait.ge @!p0 [sflag:s8], $0x0  }
0x24: {  	s3 =	sadd.s32 $0x88, s3;
	s6 =	simm.s32 @!p1 $0x1082;
	[sflag:s4] =	ssyncset.s32 $0xFFFFF086  }
0x25: {  	[simem:s6], [sflag:s4] =	dma.local [hbm:s3], $0xF7A  }
0x26: {  	[smem:$0x3F99] =	sst s1;
	(tag) =	ssettag s2;
	_ =	strace s9  }
0x27: {  	s1 =	sld [smem:$0x3FA9]  }
0x28: {  	s2 =	sld [smem:$0x3FAA]  }
0x29: {  	s4 =	sld [smem:$0x3FAC]  }
0x2a: {  	p0 =	seq.s32 s5, $0x0;
	s5 =	sld [smem:$0x3FAD]  }
0x2b: {  	s6 =	sld [smem:$0x3FAE]  }
0x2c: {  	s7 =	sld [smem:$0x3FAF]  }
0x2d: {  	s3 =	simm.s32 $0x108;
	s8 =	sld [smem:$0x3FB0]  }
0x2e: {  	s3 =	simm.s32 @!p0 $0x1082;
	s9 =	sld [smem:$0x3FB1]  }
0x2f: {  	lr =	sadd.s32 s0, s3;
	s0 =	sld [smem:$0x3FA8]  }
0x30: {  	s3 =	sld [smem:$0x3FAB]  }
0x31: {  	[smem:$0x3FB4] =	sst s10  }
0x32: {  	s10 =	sld [smem:$0x3FB2];
	_ =	sdelay $0x3  }
0x33: {  	p0 =	seq.s32 s10, $0x1;
	s10 =	sld [smem:$0x3FB4];
	_ =	sdelay $0x3  }
0x34: {  	[smem:$0x3FB4] =	sst s10  }
0x35: {  	s10 =	sld [smem:$0x3FB3];
	_ =	sdelay $0x3  }
0x36: {  	p1 =	seq.s32 s10, $0x1;
	s10 =	sld [smem:$0x3FB4];
	_ =	sdelay $0x3  }
0x37: {  	[smem:$0x3FB4] =	sst s10  }
0x38: {  	s10 =	sld [smem:$0x3FB5]  }
0x39: {  	_ = 	snop;
	(pc) =	sbr.ind lr, $3  }
0x3a: {  	_ = 	snop  }
0x3b: {  	_ = 	snop  }
0x3c: {  	p2 =	seq.s32 s10, $0x1;
	s10 =	sld [smem:$0x3FB4]  }
0x3d: {  	_ =	shalt  }
0x3e: {  	_ =	shalt  }
0x3f: {  	_ =	shalt  }
0x40: {  	_ =	shalt  }
0x41: {  	_ =	shalt  }
0x42: {  	_ =	shalt  }
0x43: {  	_ =	shalt  }
0x44: {  	_ =	shalt  }
0x45: {  	_ =	shalt  }
0x46: {  	_ =	shalt  }
0x47: {  	_ =	shalt  }
0x48: {  	_ =	shalt  }
0x49: {  	_ =	shalt  }
0x4a: {  	_ =	shalt  }
0x4b: {  	_ =	shalt  }
0x4c: {  	_ =	shalt  }
0x4d: {  	_ =	shalt  }
0x4e: {  	_ =	shalt  }
0x4f: {  	_ =	shalt  }
0x50: {  	_ =	shalt  }
0x51: {  	_ =	shalt  }
0x52: {  	_ =	shalt  }
0x53: {  	_ =	shalt  }
0x54: {  	_ =	shalt  }
0x55: {  	_ =	shalt  }
0x56: {  	_ =	shalt  }
0x57: {  	_ =	shalt  }
0x58: {  	_ =	shalt  }
0x59: {  	_ =	shalt  }
0x5a: {  	_ =	shalt  }
0x5b: {  	_ =	shalt  }
0x5c: {  	_ =	shalt  }
0x5d: {  	_ =	shalt  }
0x5e: {  	_ =	shalt  }
0x5f: {  	_ =	shalt  }
0x60: {  	_ =	shalt  }
0x61: {  	_ =	shalt  }
0x62: {  	_ =	shalt  }
0x63: {  	_ =	shalt  }
0x64: {  	_ =	shalt  }
0x65: {  	_ =	shalt  }
0x66: {  	_ =	shalt  }
0x67: {  	_ =	shalt  }
0x68: {  	_ =	shalt  }
0x69: {  	_ =	shalt  }
0x6a: {  	_ =	shalt  }
0x6b: {  	_ =	shalt  }
0x6c: {  	_ =	shalt  }
0x6d: {  	_ =	shalt  }
0x6e: {  	_ =	shalt  }
0x6f: {  	_ =	shalt  }
0x70: {  	_ =	shalt  }
0x71: {  	_ =	shalt  }
0x72: {  	_ =	shalt  }
0x73: {  	_ =	shalt  }
0x74: {  	_ =	shalt  }
0x75: {  	_ =	shalt  }
0x76: {  	_ =	shalt  }
0x77: {  	_ =	shalt  }
0x78: {  	_ =	shalt  }
0x79: {  	_ =	shalt  }
0x7a: {  	_ =	shalt  }
0x7b: {  	_ =	shalt  }
0x7c: {  	_ =	shalt  }
0x7d: {  	_ =	shalt  }
0x7e: {  	_ =	shalt  }
0x7f: {  	_ =	shalt  }
0x80: {  	_ =	shalt  }
0x81: {  	_ =	shalt  }
0x82: {  	_ =	shalt  }
0x83: {  	_ =	shalt  }
0x84: {  	_ =	shalt  }
0x85: {  	_ =	shalt  }
0x86: {  	_ =	shalt  }
0x87: {  	_ =	shalt  }
.Lfunc_end0:
.L_simem_size_0:
called_computation.1_lowered:
.L_overlay_start_0:
0x88: {  	s2 =	sld [smem:$0x3FD9]  }
0x89: {  	s3 =	sld [smem:$0x3FFE];
	_ =	sdelay $0x1  }
0x8a: {  	s1 =	srdreg.scid  }
0x8b: {  	s0 =	sand.u32 $0x1, s1  }
0x8c: {  	s16 =	sshll.u32 s0, $0xA;
	s2 =	sadd.s32 s3, s2  }
0x8d: {  	s2 =	sadd.s32 s2, s16  }
0x8e: {  	[smem:$0x3FC0] =	sst s2  }
0x8f: {  	_ = 	snop  }
0x90: {  	(tm) =	ssettm $0x1  }
0x91: {  	s17 =	sld [smem:$0x3FFB];
	_ =	sdelay $0x3  }
0x92: {  	_ =	strace s17  }
0x93: {  	s2 =	sld [smem:$0x3FFC];
	_ =	sdelay $0x3  }
0x94: {  	_ =	strace s2  }
0x95: {  	s2 =	sld [smem:$0x3FFD];
	_ =	sdelay $0x3  }
0x96: {  	_ =	strace s2  }
0x97: {  	_ =	strace $0x8FFFFFFF  }
0x98: {  	s18 =	sld [smem:$0x3FDB];
	_ =	sdelay $0x1  }
0x99: {  	s19 =	simm.s32 $_scs_section_size  }
0x9a: {  	s4 =	simm.s32 $_size__tile_overlayer_lowered;
	s5 =	simm.s32 $_tile_overlayer_lowered  }
0x9b: {  	s22 =	simm.s32 $0x1BFF;
	s21 =	sshll.u32 s5, $0x1;
	s2 =	sadd.s32 s19, s18  }
0x9c: {  	s6 =	simm.s32 $0x0;
	s20 =	sshll.u32 s4, $0x1;
	s4 =	sadd.s32 s21, s2  }
0x9d: {  	[timem:s6], [sflag:s22] =	dma.local [hbm:s4], s20  }
0x9e: {  	_ =	swait.ge [sflag:s22], s20  }
0x9f: {  	s3 =	ssub.s32 $0x0, s20;
	[sflag:s22] =	ssyncset.done $0x0  }
0xa0: {  	[sflag:s22] =	ssyncadd.s32 s3;
	_ =	sdelay $0x1  }
0xa1: {  	s23 =	simm.s32 $0x1B8B  }
0xa2: {  	_ =	swait.ge [sflag:s23], $0x1  }
0xa3: {  	[sflag:s23] =	ssyncset.done $0x0  }
0xa4: {  	s25 =	simm.s32 $0x1B8E;
	s24 =	sld [smem:$0x3FFE];
	[sflag:s23] =	ssyncadd.s32 $0xFFFFFFFF  }
0xa5: {  	s26 =	simm.s32 $execute0_lowered;
	[smem:$0x3FD2] =	sst s25  }
0xa6: {  	s4 =	sshll.u32 s26, $0x1;
	_ =	strace $0x80000049;
	[dreg:$0x1] =	wrdreg $0xFFFFFFFF  }
0xa7: {  	s28 =	simm.s32 $_size_execute0_lowered;
	s2 =	sadd.s32 s2, s4;
	[dreg:$0x0] =	wrdreg $0x0  }
0xa8: {  	s4 =	sshll.u32 s28, $0x1;
	[dreg:$0x2] =	wrdreg s2  }
0xa9: {  	[dreg:$0x3] =	wrdreg s4  }
0xaa: {  	[dreg:$0x4] =	wrdreg $0xC0  }
0xab: {  	_ =	task [dreg:s6], $0x5FFFF  }
0xac: {  	[dreg:$0x1] =	wrdreg $0xFFFFFFFF  }
0xad: {  	[dreg:$0x0] =	wrdreg $0x60  }
0xae: {  	[dreg:$0x2] =	wrdreg s24  }
0xaf: {  	[dreg:$0x3] =	wrdreg $0x90000  }
0xb0: {  	[dreg:$0x4] =	wrdreg $0x9  }
0xb1: {  	_ =	task.clear_ibuf [dreg:s6], $0x5FFFF;
	_ =	strace $0x90000049  }
0xb2: {  	s29 =	simm.s32 $0x9;
	_ =	strace $0x8000004B  }
0xb3: {  	_ =	swait.ge [sflag:s29], $0x1  }
0xb4: {  	[sflag:s29] =	ssyncadd.s32 $0xFFFFFFFF  }
0xb5: {  	_ =	strace $0x9000004B  }
0xb6: {  	_ =	sfence  }
0xb7: {  	s30 =	sld [smem:$0x0];
	_ =	sdelay $0x2  }
0xb8: {  	s31 =	sshll.u32 s1, $0xD;
	s1 =	sshrl.u32 s1, $0x2  }
0xb9: {  	s3 =	sand.u32 $0x4000, s31;
	s1 =	sadd.s32 s1, s30  }
0xba: {  	s0 =	sor.u32 s3, s0;
	s1 =	sshll.u32 s1, $0x11  }
0xbb: {  	s0 =	sor.u32 s1, s0  }
0xbc: {  	s0 =	sadd.s32 $0x8F2B, s0  }
0xbd: {  	[sflag:s0] =	ssyncadd.remote.s32 $0x1  }
0xbe: {  	_ =	sfence.sel $0xFFFF  }
0xbf: {  	[dreg:$0x0] =	wrdreg $0xFFFFFFFF;
	(pc) =	sbr.abs _section_cstart, $3  }
0xc0: {  	[dreg:$0x1] =	wrdreg $0xFFFFFFFF  }
0xc1: {  	_ =	task.clear_ibuf [dreg:s6], $0x2FFFF;
	_ =	strace $0x9FFFFFFF  }
0xc2: {  	(tm) =	ssettm $0x7FFFFFFF  }
0xc3: {  	_ =	shalt  }
tec
execute0_lowered:
.L_overlay_start_1:
0x0: {  	(tag) =	ssettag $0x1  }
0x1: {  	s1 =	srdreg.scid  }
0x2: {  	s0 =	stileid.u32;
	s5 =	rddreg [dreg:$0x0]  }
0x3: {  	s2 =	rddreg [dreg:$0x1];
	s3 =	simm.s32 $0x0;
	s14 =	simm.s32 $0x2  }
0x4: {  	s15 =	simm.s32 $0x2800;
	s16 =	simm.s32 $0x5000;
	s7 =	smul.u32 $0x2800, s0  }
0x5: {  	s17 =	simm.s32 $0x80;
	s18 =	simm.s32 $0x1;
	s10 =	smul.u32 $0x14000, s0  }
0x6: {  	s6 =	sand.u32 $0x1, s1;
	s1 =	rddreg [dreg:$0x2];
	s30 =	smul.u32 $0x50000, s0  }
0x7: {  	s21 =	simm.s32 $0x0;
	[smem:$0x7FF] =	sst s3;
	s4 =	smul.u32 $0x28000, s6  }
0x8: {  	s19 =	sshll.u32 s0, $0x6;
	s8 =	smul.u32 $0x140000, s6;
	s6 =	ssub.s32 $0x2, s6  }
0x9: {  	_ =	strace $0x8000004A;
	s19 =	sor.u32 $0x1C02, s19;
	s11 =	sshrl.u32 s6, $0x1  }
0xa: {  	s31 =	sshrl.u32 s30, $0x2;
	s4 =	sadd.s32 s7, s4;
	s7 =	sshrl.u32 s7, $0x3  }
0xb: {  	s8 =	sadd.s32 s10, s8;
	s13 =	ssub.s32 s6, s11;
	s9 =	sshrl.u32 s4, $0x3  }
0xc: {  	s4 =	sadd.s32 $0x10A00, s5;
	s7 =	sadd.s32 s7, s5;
	s8 =	sshrl.u32 s8, $0x3  }
0xd: {  	s13 =	smax.u32 s13, $0x1;
	s9 =	sadd.s32 s9, s5;
	s12 =	sadd.s32 s8, s5  }
0xe: {  	s6 =	sadd.s32 $0x1A00, s7;
	s7 =	sadd.s32 s31, s2;
	s5 =	sadd.s32 $0x6A00, s9  }
0xf: {  	s8 =	sadd.s32 $0x4000, s7;
	s9 =	sadd.s32 $0x8000, s7;
	s10 =	sadd.s32 $0xC000, s7  }
0x10: {  	v0 =	vimm.f32 $0.0e+00;
	s11 =	sadd.s32 $0x10000, s7;
	s12 =	sadd.s32 $0xACE00, s12;
	s20 =	sshrl.u32 s7, $0x3  }
.LBB2_1:
0x11: {  	[tilespmem:s3], [sflag:$0x2] =	stream.linear.gather [hbm4b:s5+s3], $0x2780, $0x38;
	[tilespmem:$0x1D000] =	vst v63  }
0x12: {  	_ =	swait.ge [sflag:s14], $0x2780  }
0x13: {  	[sflag:s14] =	ssyncset.done $0x0  }
0x14: {  	[sflag:s14] =	ssyncadd.s32 $0xFFFFD880  }
0x15: {  	[tilespmem:s15], [sflag:$0x2] =	stream.linear.gather [hbm4b:s6+s3], $0x2780, $0x38;
	[tilespmem:$0x1D000] =	vst v63  }
0x16: {  	_ =	swait.ge [sflag:s14], $0x2780  }
0x17: {  	[sflag:s14] =	ssyncset.done $0x0  }
0x18: {  	s22 =	simm.s32 $0x0;
	s23 =	simm.s32 $0x200;
	[sflag:s14] =	ssyncadd.s32 $0xFFFFD880  }
.LBB2_2:
0x19: {  	p0 =	sne.s32 s23, $0xFE00;
	[tilespmem:s22+$0x5070] =	vst v0  }
0x1a: {  	[tilespmem:s22+$0x5000] =	vst v0  }
0x1b: {  	[tilespmem:s22+$0x5010] =	vst v0  }
.Ltmp0:
0x1c: {  	[tilespmem:s22+$0x5020] =	vst v0;
	(pc) =	sbr.rel @p0 .LBB2_2-.Ltmp0, $4  }
0x1d: {  	[tilespmem:s22+$0x5030] =	vst v0  }
0x1e: {  	[tilespmem:s22+$0x5040] =	vst v0  }
0x1f: {  	[tilespmem:s22+$0x5050] =	vst v0  }
0x20: {  	[tilespmem:s22+$0x5060] =	vst v0;
	s22 =	sshra.s32 s23, $0x2;
	s23 =	sadd.s32 $0x200, s23  }
0x21: {  	[tilespmem:s22+$0x5070] =	vst v0  }
0x22: {  	[tilespmem:s22+$0x5000] =	vst v0  }
0x23: {  	[tilespmem:s22+$0x5010] =	vst v0  }
0x24: {  	[tilespmem:s22+$0x5020] =	vst v0  }
0x25: {  	[tilespmem:s22+$0x5030] =	vst v0  }
0x26: {  	[tilespmem:s22+$0x5040] =	vst v0  }
0x27: {  	[tilespmem:s22+$0x5050] =	vst v0  }
0x28: {  	[tilespmem:s22+$0x5060] =	vst v0  }
0x29: {  	[spmem:s7] =	stream.linear.scatter [tilespmem:s16], [sflag:$0x2], $0x4000, $0x38;
	[tilespmem:$0x1D000] =	vst v63  }
0x2a: {  	_ =	swait.ge [sflag:s14], $0x4000  }
0x2b: {  	[sflag:s14] =	ssyncset.done $0x0  }
0x2c: {  	[sflag:s14] =	ssyncadd.s32 $0xFFFFC000  }
0x2d: {  	[spmem:s8] =	stream.linear.scatter [tilespmem:s16], [sflag:$0x2], $0x4000, $0x38;
	[tilespmem:$0x1D000] =	vst v63  }
0x2e: {  	_ =	swait.ge [sflag:s14], $0x4000  }
0x2f: {  	[sflag:s14] =	ssyncset.done $0x0  }
0x30: {  	[sflag:s14] =	ssyncadd.s32 $0xFFFFC000  }
0x31: {  	[spmem:s9] =	stream.linear.scatter [tilespmem:s16], [sflag:$0x2], $0x4000, $0x38;
	[tilespmem:$0x1D000] =	vst v63  }
0x32: {  	_ =	swait.ge [sflag:s14], $0x4000  }
0x33: {  	[sflag:s14] =	ssyncset.done $0x0  }
0x34: {  	[sflag:s14] =	ssyncadd.s32 $0xFFFFC000  }
0x35: {  	[spmem:s10] =	stream.linear.scatter [tilespmem:s16], [sflag:$0x2], $0x4000, $0x38;
	[tilespmem:$0x1D000] =	vst v63  }
0x36: {  	_ =	swait.ge [sflag:s14], $0x4000  }
0x37: {  	[sflag:s14] =	ssyncset.done $0x0  }
0x38: {  	[sflag:s14] =	ssyncadd.s32 $0xFFFFC000  }
0x39: {  	[spmem:s11] =	stream.linear.scatter [tilespmem:s16], [sflag:$0x2], $0x4000, $0x38;
	[tilespmem:$0x1D000] =	vst v63  }
0x3a: {  	_ =	swait.ge [sflag:s14], $0x4000  }
0x3b: {  	[sflag:s14] =	ssyncset.done $0x0  }
0x3c: {  	[sflag:s14] =	ssyncadd.s32 $0xFFFFC000  }
0x3d: {  	s30 =	simm.s32 $0x0;
	[bflag:$0x0] =	sbarrier.arrive $0xFFFF  }
0x3e: {  	[tilespmem:s16], [sflag:$0x1] =	stream.indirect.gather [hbm4b:s4+s17], $0x80, s30, s17, $0xb8;
	[tilespmem:$0x1D000] =	vst v63  }
0x3f: {  	_ =	swait.ge [sflag:s18], $0x4000  }
0x40: {  	[sflag:s18] =	ssyncset.done $0x0  }
0x41: {  	s31 =	simm.s32 $0x2800;
	[sflag:s18] =	ssyncadd.s32 $0xFFFFC000  }
0x42: {  	[spmem:s2] =	stream.indirect.scatter.add.f32 [tilespmem:s16], [sflag:$0x2], $0x80, s31, s17, $0xb8;
	[tilespmem:$0x1D000] =	vst v63  }
0x43: {  	_ =	swait.ge [sflag:s14], $0x4000  }
0x44: {  	s22 =	simm.s32 $0x200;
	s23 =	simm.s32 $0x400;
	[sflag:s14] =	ssyncset.done $0x0  }
.LBB2_4:
0x45: {  	s24 =	sshra.s32 s22, $0x2  }
0x46: {  	[sflag:s14] =	ssyncadd.s32 $0xFFFFC000;
	s22 =	smov.u32 s23;
	s25 =	sadd.s32 $0x200, s23  }
0x47: {  	[tilespmem:s16], [sflag:$0x1] =	stream.indirect.gather [hbm4b:s4+s17], $0x80, s24, s17, $0xb8;
	[tilespmem:$0x1D000] =	vst v63  }
0x48: {  	p0 =	sne.s32 s23, $0x9C00;
	_ =	swait.ge [sflag:s18], $0x4000  }
.Ltmp1:
0x49: {  	[sflag:s18] =	ssyncset.done $0x0;
	(pc) =	sbr.rel @p0 .LBB2_4-.Ltmp1, $4  }
0x4a: {  	s23 =	sadd.s32 $0x2800, s24;
	[sflag:s18] =	ssyncadd.s32 $0xFFFFC000  }
0x4b: {  	[spmem:s2] =	stream.indirect.scatter.add.f32 [tilespmem:s16], [sflag:$0x2], $0x80, s23, s17, $0xb8;
	[tilespmem:$0x1D000] =	vst v63  }
0x4c: {  	_ =	swait.ge [sflag:s14], $0x4000  }
0x4d: {  	s23 =	smov.u32 s25;
	[sflag:s14] =	ssyncset.done $0x0  }
0x4e: {  	s22 =	sshra.s32 s22, $0x2;
	[sflag:s14] =	ssyncadd.s32 $0xFFFFC000  }
0x4f: {  	[tilespmem:s16], [sflag:$0x1] =	stream.indirect.gather [hbm4b:s4+s17], $0x80, s22, s17, $0xb8;
	[tilespmem:$0x1D000] =	vst v63  }
0x50: {  	_ =	swait.ge [sflag:s18], $0x4000  }
0x51: {  	[sflag:s18] =	ssyncset.done $0x0  }
0x52: {  	s22 =	sadd.s32 $0x2800, s22;
	[sflag:s18] =	ssyncadd.s32 $0xFFFFC000  }
0x53: {  	[spmem:s2] =	stream.indirect.scatter.add.f32 [tilespmem:s16], [sflag:$0x2], $0x80, s22, s17, $0xb8;
	[tilespmem:$0x1D000] =	vst v63  }
0x54: {  	_ =	swait.ge [sflag:s14], $0x4000  }
0x55: {  	s21 =	sadd.s32 $0x1, s21;
	[sflag:s14] =	ssyncset.done $0x0  }
0x56: {  	p0 =	sne.s32 s21, s13;
	[sflag:s14] =	ssyncadd.s32 $0xFFFFC000  }
.Ltmp2:
0x57: {  	[bflag:$0x0] =	sbarrier.arrive $0xFFFF;
	(pc) =	sbr.rel @p0 .LBB2_1-.Ltmp2, $4  }
0x58: {  	[hbm:s12], [sflag:s19] =	dma.local [spmem:s20], $0x2800  }
0x59: {  	_ =	swait.ge [sflag:s14], $0x2800  }
0x5a: {  	[sflag:s14] =	ssyncset.done $0x0  }
0x5b: {  	[sflag:s14] =	ssyncadd.s32 $0xFFFFD800  }
0x5c: {  	_ =	sfence.sel $0x180000  }
0x5d: {  	[bflag:$0x0] =	sbarrier.arrive $0xFFFF  }
0x5e: {  	p0 =	sne.s32 s0, $0x0;
	_ =	strace $0x9000004A  }
0x5f: {  	s0 =	sadd.s32 @!p0 $0x100000, s1;
	[bflag:$0x2] =	sbarrier.arrive $0xFFFF  }
0x60: {  	[sflag:s0] =	ssyncadd.tile.s32 @!p0 $0x1;
	_ =	shalt  }
.Lfunc_end2:
_tile_overlayer_lowered:
.L_overlay_start_2:
0x61: {  	(tag) =	ssettag $0x2  }
0x62: {  	s0 =	rddreg [dreg:$0x0];
	s2 =	stileid.u32  }
0x63: {  	s1 =	rddreg [dreg:$0x1];
	p0 =	sne.s32 s2, $0x0  }
0x64: {  	s3 =	rddreg [dreg:$0x2];
	[bflag:$0x3] =	sbarrier.arrive $0xFFFF;
	s2 =	simm.s32 @!p0 $0x1C02  }
0x65: {  	[timem:s3], [sflag:s2] =	dma.local @!p0 [hbm:s0], s1  }
0x66: {  	s0 =	simm.s32 @!p0 $0x2  }
0x67: {  	_ =	swait.ge @!p0 [sflag:s0], s1  }
0x68: {  	s1 =	ssub.s32 @!p0 $0x0, s1;
	[sflag:s0] =	ssyncset.done @!p0 $0x0  }
0x69: {  	[sflag:s0] =	ssyncadd.s32 @!p0 s1  }
0x6a: {  	[bflag:$0x3] =	sbarrier.arrive $0xFFFF  }
0x6b: {  	_ =	shalt  }

</sc_bundles>
